<compile_context>
chip_gen: v7x
topology: tpu7x:2x2x1
jax: 0.10.2.dev20260603
libtpu: 0.0.44.dev20260713+nightly
codegen_flags: <defaults>
</compile_context>

<pallas_src>
import functools

import jax
import jax.numpy as jnp
from jax import lax
from jax.experimental import pallas as pl
from jax.experimental.pallas import tpu as pltpu
from jax.experimental.pallas import tpu_sc as plsc


def _make_sc_kernel(B, SEQ, E, V):
    info = plsc.get_sparse_core_info()
    NC, NS = info.num_cores, info.num_subcores
    NW = NC * NS
    rows_total = B * SEQ
    rows_per_w = rows_total // NW
    CHUNK = 128
    n_chunks = rows_per_w // CHUNK
    assert rows_per_w % CHUNK == 0

    NBUF = 5
    assert n_chunks % NBUF == 0

    mesh = plsc.VectorSubcoreMesh(core_axis_name="c", subcore_axis_name="s")

    @functools.partial(
        pl.kernel,
        out_type=jax.ShapeDtypeStruct((rows_total, E), jnp.float32),
        mesh=mesh,
        scratch_types=[
            pltpu.VMEM((n_chunks, CHUNK), jnp.int32),
            pltpu.VMEM((NBUF, CHUNK, E), jnp.float32),
            pltpu.VMEM_SHARED((2 * SEQ, E), jnp.float32),
            pltpu.SemaphoreType.DMA((NBUF,)),
            pltpu.SemaphoreType.DMA((NBUF,)),
            pltpu.SemaphoreType.DMA((NBUF,)),
        ],
    )
    def k(idx_hbm, text_hbm, pos2_hbm, out_hbm, idx_v, rows_v, pos_s,
          psem, gsem, osem):
        cid = lax.axis_index("c")
        sid = lax.axis_index("s")
        wid = sid * NC + cid
        base_row = wid * rows_per_w
        pltpu.sync_copy(idx_hbm.at[wid], idx_v)

        @pl.when(sid == 0)
        def _():
            pltpu.sync_copy(pos2_hbm, pos_s)

        plsc.subcore_barrier()

        def pdesc(c, b):
            phase = lax.rem(c * CHUNK, SEQ)
            return pltpu.make_async_copy(
                pos_s.at[pl.ds(phase, CHUNK)], rows_v.at[b], psem.at[b]
            )

        def gdesc(c, b):
            return pltpu.make_async_copy(
                text_hbm.at[idx_v.at[c]], rows_v.at[b], gsem.at[b]
            )

        def odesc(c, b):
            return pltpu.make_async_copy(
                rows_v.at[b],
                out_hbm.at[pl.ds(base_row + c * CHUNK, CHUNK)],
                osem.at[b],
            )

        for c0 in range(NBUF - 1):
            pdesc(c0, c0).start()
        for c0 in range(NBUF - 2):
            pdesc(c0, c0).wait()
            gdesc(c0, c0).start(add=True)

        def group(g, carry):
            for b in range(NBUF):
                c = g * NBUF + b
                pb = (b + NBUF - 1) % NBUF
                qb = (b + NBUF - 2) % NBUF

                @pl.when(c + NBUF - 1 < n_chunks)
                def _():
                    @pl.when(c >= 1)
                    def _():
                        odesc(c - 1, pb).wait()

                    pdesc(c + NBUF - 1, pb).start()

                @pl.when(c + NBUF - 2 < n_chunks)
                def _():
                    pdesc(c + NBUF - 2, qb).wait()
                    gdesc(c + NBUF - 2, qb).start(add=True)

                gdesc(c, b).wait()
                odesc(c, b).start()
            return carry

        lax.fori_loop(0, n_chunks // NBUF, group, 0)

        for b in range(NBUF):
            odesc(n_chunks - NBUF + b, b).wait()

    return k, NW, rows_per_w, CHUNK, n_chunks


def kernel(inputs, text_table, pos_table):
    B, SEQ = inputs.shape
    V, E = text_table.shape
    k, NW, rows_per_w, CHUNK, n_chunks = _make_sc_kernel(B, SEQ, E, V)
    idx = inputs.astype(jnp.int32).reshape(NW, n_chunks, CHUNK)
    pos2 = jnp.concatenate([pos_table, pos_table], axis=0)
    out = k(idx, text_table, pos2)
    return out.reshape(B, SEQ, E)

# --- scband reference (transcript-rebuilt; emitter-appended) ---
"""Pipeline reference for scband-combined-encoding-6682969113139 (READ-ONLY COPY).

The authoritative reference and input builder live on the scoring server;
editing this copy changes nothing except your own understanding.
"""

import jax, jax.numpy as jnp
import numpy as np

VOCAB = 100000
MAX_LEN = 200
EMB = 128
BATCH = 4096

def setup_inputs(seed: int = 0) -> dict:
    key = jax.random.key(seed)
    k1, k2, k3 = jax.random.split(key, 3)
    inputs = jax.random.randint(k1, (BATCH, MAX_LEN), 0, VOCAB, dtype=jnp.int64 if jax.config.jax_enable_x64 else jnp.int32)
    text_table = jax.random.normal(k2, (VOCAB, EMB), dtype=jnp.float32) * 0.05
    pos_table = jax.random.normal(k3, (MAX_LEN, EMB), dtype=jnp.float32) * 0.05
    return {"inputs": inputs, "text_table": text_table, "pos_table": pos_table}

def reference(inputs, text_table, pos_table):
    seq_len = inputs.shape[-1]
    positions = jnp.arange(0, seq_len)
    pos_emb = jnp.take(pos_table, positions, axis=0)          # [L, E]
    tok_emb = jnp.take(text_table, inputs, axis=0)            # [B, L, E]
    output = tok_emb + pos_emb[None, :, :]
    return output

if __name__ == "__main__":
    import jax
    _d = setup_inputs()
    print(jax.jit(kernel)(*tuple(_d.values())))

</pallas_src>

<mosaic_0001>
#map = affine_map<(d0, d1) -> (0, 0, 0)>
#map1 = affine_map<(d0, d1) -> (0, 0)>
module attributes {stable_mosaic.version = 14 : i64} {
  func.func @k(%arg0: i32, %arg1: i32, %arg2: memref<32x200x128xi32, #tpu.memory_space<hbm>>, %arg3: memref<100000x128xf32, #tpu.memory_space<hbm>>, %arg4: memref<400x128xf32, #tpu.memory_space<hbm>>, %arg5: memref<819200x128xf32, #tpu.memory_space<hbm>>, %arg6: memref<200x128xi32, #tpu.memory_space<vmem>>, %arg7: memref<5x128x128xf32, #tpu.memory_space<vmem>>, %arg8: memref<400x128xf32, #tpu.memory_space<vmem_shared>>, %arg9: memref<5x!tpu.dma_semaphore, #tpu.memory_space<semaphore_mem>>, %arg10: memref<5x!tpu.dma_semaphore, #tpu.memory_space<semaphore_mem>>, %arg11: memref<5x!tpu.dma_semaphore, #tpu.memory_space<semaphore_mem>>) attributes {dimension_semantics = [#tpu.dimension_semantics<core_parallel>, #tpu.dimension_semantics<subcore_parallel>], iteration_bounds = array<i64: 2, 16>, scalar_prefetch = 0 : i64, scratch_operands = 6 : i64, tpu.core_type = #tpu.core_type<sc_vector_subcore>, window_params = [{transform_indices = #map}, {transform_indices = #map1}, {transform_indices = #map1}, {transform_indices = #map1}]} {
    %mul3A = arith.constant 2 : i32
    %mul3A_0 = arith.muli %arg1, %mul3A : i32
    %add3A = arith.addi %mul3A_0, %arg0 : i32
    %mul3A_1 = arith.constant 25600 : i32
    %mul3A_2 = arith.muli %add3A, %mul3A_1 : i32
    "tpu.region"() ({
      %run_scoped3A = tpu.sem_alloc : memref<!tpu.dma_semaphore, #tpu.memory_space<semaphore_mem>>
      %dma_start3A_275 = arith.constant 0 : i32
      %dma_start3A_276 = arith.constant 0 : i32
      %dma_start3A_277 = tpu.memref_slice %arg2[%add3A, %dma_start3A_275, %dma_start3A_276] : memref<32x200x128xi32, #tpu.memory_space<hbm>> -> memref<1x200x128xi32, #tpu.memory_space<hbm>>
      %dma_start3A_278 = tpu.memref_squeeze %dma_start3A_277 : memref<1x200x128xi32, #tpu.memory_space<hbm>> -> memref<200x128xi32, #tpu.memory_space<hbm>>
      %dma_start3A_279 = arith.constant 0 : i32
      %dma_start3A_280 = arith.constant 0 : i32
      %dma_start3A_281 = tpu.memref_slice %arg2[%add3A, %dma_start3A_279, %dma_start3A_280] : memref<32x200x128xi32, #tpu.memory_space<hbm>> -> memref<1x200x128xi32, #tpu.memory_space<hbm>>
      %dma_start3A_282 = tpu.memref_squeeze %dma_start3A_281 : memref<1x200x128xi32, #tpu.memory_space<hbm>> -> memref<200x128xi32, #tpu.memory_space<hbm>>
      tpu.enqueue_dma source(%dma_start3A_282 : memref<200x128xi32, #tpu.memory_space<hbm>>) target(%arg6 : memref<200x128xi32, #tpu.memory_space<vmem>>) target_semaphore(%run_scoped3A : memref<!tpu.dma_semaphore, #tpu.memory_space<semaphore_mem>>)
      %dma_wait3A_283 = arith.constant 0 : i32
      %dma_wait3A_284 = arith.constant 0 : i32
      %dma_wait3A_285 = tpu.memref_slice %arg2[%add3A, %dma_wait3A_283, %dma_wait3A_284] : memref<32x200x128xi32, #tpu.memory_space<hbm>> -> memref<1x200x128xi32, #tpu.memory_space<hbm>>
      %dma_wait3A_286 = tpu.memref_squeeze %dma_wait3A_285 : memref<1x200x128xi32, #tpu.memory_space<hbm>> -> memref<200x128xi32, #tpu.memory_space<hbm>>
      %dma_wait3A_287 = arith.constant 0 : i32
      %dma_wait3A_288 = arith.constant 0 : i32
      %dma_wait3A_289 = tpu.memref_slice %arg2[%add3A, %dma_wait3A_287, %dma_wait3A_288] : memref<32x200x128xi32, #tpu.memory_space<hbm>> -> memref<1x200x128xi32, #tpu.memory_space<hbm>>
      %dma_wait3A_290 = tpu.memref_squeeze %dma_wait3A_289 : memref<1x200x128xi32, #tpu.memory_space<hbm>> -> memref<200x128xi32, #tpu.memory_space<hbm>>
      tpu.wait_dma2 semaphore(%run_scoped3A : memref<!tpu.dma_semaphore, #tpu.memory_space<semaphore_mem>>) src(%dma_wait3A_290 : memref<200x128xi32, #tpu.memory_space<hbm>>) dst(%arg6 : memref<200x128xi32, #tpu.memory_space<vmem>>)
      tpu.yield
    }) : () -> ()
    %eq3A = arith.constant 0 : i32
    %eq3A_3 = arith.cmpi eq, %arg1, %eq3A : i32
    %convert_element_type3A = arith.extui %eq3A_3 : i1 to i32
    %cond3A = arith.constant 0 : i32
    %cond3A_4 = arith.cmpi ne, %convert_element_type3A, %cond3A : i32
    scf.if %cond3A_4 {
      "tpu.region"() ({
        %run_scoped3A = tpu.sem_alloc : memref<!tpu.dma_semaphore, #tpu.memory_space<semaphore_mem>>
        tpu.enqueue_dma source(%arg4 : memref<400x128xf32, #tpu.memory_space<hbm>>) target(%arg8 : memref<400x128xf32, #tpu.memory_space<vmem_shared>>) target_semaphore(%run_scoped3A : memref<!tpu.dma_semaphore, #tpu.memory_space<semaphore_mem>>)
        tpu.wait_dma2 semaphore(%run_scoped3A : memref<!tpu.dma_semaphore, #tpu.memory_space<semaphore_mem>>) src(%arg4 : memref<400x128xf32, #tpu.memory_space<hbm>>) dst(%arg8 : memref<400x128xf32, #tpu.memory_space<vmem_shared>>)
        tpu.yield
      }) : () -> ()
    } else {
    }
    %barrier3A = arith.constant 0 : index
    tpu.barrier barrier_id(%barrier3A)
    %rem3A = arith.constant 0 : i32
    %rem3A_5 = arith.constant 200 : i32
    %rem3A_6 = arith.remsi %rem3A, %rem3A_5 : i32
    %dma_start3A = arith.constant 0 : i32
    %dma_start3A_7 = arith.constant 0 : i32
    %dma_start3A_8 = arith.constant 0 : i32
    %dma_start3A_9 = arith.constant 0 : i32
    %dma_start3A_10 = tpu.memref_slice %arg7[%dma_start3A, %dma_start3A_8, %dma_start3A_9] : memref<5x128x128xf32, #tpu.memory_space<vmem>> -> memref<1x128x128xf32, #tpu.memory_space<vmem>>
    %dma_start3A_11 = tpu.memref_squeeze %dma_start3A_10 : memref<1x128x128xf32, #tpu.memory_space<vmem>> -> memref<128x128xf32, #tpu.memory_space<vmem>>
    %dma_start3A_12 = arith.constant 0 : i32
    %dma_start3A_13 = tpu.memref_slice %arg8[%rem3A_6, %dma_start3A_12] : memref<400x128xf32, #tpu.memory_space<vmem_shared>> -> memref<128x128xf32, #tpu.memory_space<vmem_shared>>
    %dma_start3A_14 = tpu.memref_slice %arg9[%dma_start3A_7] : memref<5x!tpu.dma_semaphore, #tpu.memory_space<semaphore_mem>> -> memref<1x!tpu.dma_semaphore, #tpu.memory_space<semaphore_mem>>
    %dma_start3A_15 = tpu.memref_squeeze %dma_start3A_14 : memref<1x!tpu.dma_semaphore, #tpu.memory_space<semaphore_mem>> -> memref<!tpu.dma_semaphore, #tpu.memory_space<semaphore_mem>>
    %dma_start3A_16 = arith.constant 0 : i32
    %dma_start3A_17 = arith.constant 0 : i32
    %dma_start3A_18 = tpu.memref_slice %arg7[%dma_start3A, %dma_start3A_16, %dma_start3A_17] : memref<5x128x128xf32, #tpu.memory_space<vmem>> -> memref<1x128x128xf32, #tpu.memory_space<vmem>>
    %dma_start3A_19 = tpu.memref_squeeze %dma_start3A_18 : memref<1x128x128xf32, #tpu.memory_space<vmem>> -> memref<128x128xf32, #tpu.memory_space<vmem>>
    %dma_start3A_20 = arith.constant 0 : i32
    %dma_start3A_21 = tpu.memref_slice %arg8[%rem3A_6, %dma_start3A_20] : memref<400x128xf32, #tpu.memory_space<vmem_shared>> -> memref<128x128xf32, #tpu.memory_space<vmem_shared>>
    tpu.enqueue_dma source(%dma_start3A_21 : memref<128x128xf32, #tpu.memory_space<vmem_shared>>) target(%dma_start3A_19 : memref<128x128xf32, #tpu.memory_space<vmem>>) target_semaphore(%dma_start3A_15 : memref<!tpu.dma_semaphore, #tpu.memory_space<semaphore_mem>>)
    %rem3A_22 = arith.constant 128 : i32
    %rem3A_23 = arith.constant 200 : i32
    %rem3A_24 = arith.remsi %rem3A_22, %rem3A_23 : i32
    %dma_start3A_25 = arith.constant 1 : i32
    %dma_start3A_26 = arith.constant 1 : i32
    %dma_start3A_27 = arith.constant 0 : i32
    %dma_start3A_28 = arith.constant 0 : i32
    %dma_start3A_29 = tpu.memref_slice %arg7[%dma_start3A_25, %dma_start3A_27, %dma_start3A_28] : memref<5x128x128xf32, #tpu.memory_space<vmem>> -> memref<1x128x128xf32, #tpu.memory_space<vmem>>
    %dma_start3A_30 = tpu.memref_squeeze %dma_start3A_29 : memref<1x128x128xf32, #tpu.memory_space<vmem>> -> memref<128x128xf32, #tpu.memory_space<vmem>>
    %dma_start3A_31 = arith.constant 0 : i32
    %dma_start3A_32 = tpu.memref_slice %arg8[%rem3A_24, %dma_start3A_31] : memref<400x128xf32, #tpu.memory_space<vmem_shared>> -> memref<128x128xf32, #tpu.memory_space<vmem_shared>>
    %dma_start3A_33 = tpu.memref_slice %arg9[%dma_start3A_26] : memref<5x!tpu.dma_semaphore, #tpu.memory_space<semaphore_mem>> -> memref<1x!tpu.dma_semaphore, #tpu.memory_space<semaphore_mem>>
    %dma_start3A_34 = tpu.memref_squeeze %dma_start3A_33 : memref<1x!tpu.dma_semaphore, #tpu.memory_space<semaphore_mem>> -> memref<!tpu.dma_semaphore, #tpu.memory_space<semaphore_mem>>
    %dma_start3A_35 = arith.constant 0 : i32
    %dma_start3A_36 = arith.constant 0 : i32
    %dma_start3A_37 = tpu.memref_slice %arg7[%dma_start3A_25, %dma_start3A_35, %dma_start3A_36] : memref<5x128x128xf32, #tpu.memory_space<vmem>> -> memref<1x128x128xf32, #tpu.memory_space<vmem>>
    %dma_start3A_38 = tpu.memref_squeeze %dma_start3A_37 : memref<1x128x128xf32, #tpu.memory_space<vmem>> -> memref<128x128xf32, #tpu.memory_space<vmem>>
    %dma_start3A_39 = arith.constant 0 : i32
    %dma_start3A_40 = tpu.memref_slice %arg8[%rem3A_24, %dma_start3A_39] : memref<400x128xf32, #tpu.memory_space<vmem_shared>> -> memref<128x128xf32, #tpu.memory_space<vmem_shared>>
    tpu.enqueue_dma source(%dma_start3A_40 : memref<128x128xf32, #tpu.memory_space<vmem_shared>>) target(%dma_start3A_38 : memref<128x128xf32, #tpu.memory_space<vmem>>) target_semaphore(%dma_start3A_34 : memref<!tpu.dma_semaphore, #tpu.memory_space<semaphore_mem>>)
    %rem3A_41 = arith.constant 256 : i32
    %rem3A_42 = arith.constant 200 : i32
    %rem3A_43 = arith.remsi %rem3A_41, %rem3A_42 : i32
    %dma_start3A_44 = arith.constant 2 : i32
    %dma_start3A_45 = arith.constant 2 : i32
    %dma_start3A_46 = arith.constant 0 : i32
    %dma_start3A_47 = arith.constant 0 : i32
    %dma_start3A_48 = tpu.memref_slice %arg7[%dma_start3A_44, %dma_start3A_46, %dma_start3A_47] : memref<5x128x128xf32, #tpu.memory_space<vmem>> -> memref<1x128x128xf32, #tpu.memory_space<vmem>>
    %dma_start3A_49 = tpu.memref_squeeze %dma_start3A_48 : memref<1x128x128xf32, #tpu.memory_space<vmem>> -> memref<128x128xf32, #tpu.memory_space<vmem>>
    %dma_start3A_50 = arith.constant 0 : i32
    %dma_start3A_51 = tpu.memref_slice %arg8[%rem3A_43, %dma_start3A_50] : memref<400x128xf32, #tpu.memory_space<vmem_shared>> -> memref<128x128xf32, #tpu.memory_space<vmem_shared>>
    %dma_start3A_52 = tpu.memref_slice %arg9[%dma_start3A_45] : memref<5x!tpu.dma_semaphore, #tpu.memory_space<semaphore_mem>> -> memref<1x!tpu.dma_semaphore, #tpu.memory_space<semaphore_mem>>
    %dma_start3A_53 = tpu.memref_squeeze %dma_start3A_52 : memref<1x!tpu.dma_semaphore, #tpu.memory_space<semaphore_mem>> -> memref<!tpu.dma_semaphore, #tpu.memory_space<semaphore_mem>>
    %dma_start3A_54 = arith.constant 0 : i32
    %dma_start3A_55 = arith.constant 0 : i32
    %dma_start3A_56 = tpu.memref_slice %arg7[%dma_start3A_44, %dma_start3A_54, %dma_start3A_55] : memref<5x128x128xf32, #tpu.memory_space<vmem>> -> memref<1x128x128xf32, #tpu.memory_space<vmem>>
    %dma_start3A_57 = tpu.memref_squeeze %dma_start3A_56 : memref<1x128x128xf32, #tpu.memory_space<vmem>> -> memref<128x128xf32, #tpu.memory_space<vmem>>
    %dma_start3A_58 = arith.constant 0 : i32
    %dma_start3A_59 = tpu.memref_slice %arg8[%rem3A_43, %dma_start3A_58] : memref<400x128xf32, #tpu.memory_space<vmem_shared>> -> memref<128x128xf32, #tpu.memory_space<vmem_shared>>
    tpu.enqueue_dma source(%dma_start3A_59 : memref<128x128xf32, #tpu.memory_space<vmem_shared>>) target(%dma_start3A_57 : memref<128x128xf32, #tpu.memory_space<vmem>>) target_semaphore(%dma_start3A_53 : memref<!tpu.dma_semaphore, #tpu.memory_space<semaphore_mem>>)
    %rem3A_60 = arith.constant 384 : i32
    %rem3A_61 = arith.constant 200 : i32
    %rem3A_62 = arith.remsi %rem3A_60, %rem3A_61 : i32
    %dma_start3A_63 = arith.constant 3 : i32
    %dma_start3A_64 = arith.constant 3 : i32
    %dma_start3A_65 = arith.constant 0 : i32
    %dma_start3A_66 = arith.constant 0 : i32
    %dma_start3A_67 = tpu.memref_slice %arg7[%dma_start3A_63, %dma_start3A_65, %dma_start3A_66] : memref<5x128x128xf32, #tpu.memory_space<vmem>> -> memref<1x128x128xf32, #tpu.memory_space<vmem>>
    %dma_start3A_68 = tpu.memref_squeeze %dma_start3A_67 : memref<1x128x128xf32, #tpu.memory_space<vmem>> -> memref<128x128xf32, #tpu.memory_space<vmem>>
    %dma_start3A_69 = arith.constant 0 : i32
    %dma_start3A_70 = tpu.memref_slice %arg8[%rem3A_62, %dma_start3A_69] : memref<400x128xf32, #tpu.memory_space<vmem_shared>> -> memref<128x128xf32, #tpu.memory_space<vmem_shared>>
    %dma_start3A_71 = tpu.memref_slice %arg9[%dma_start3A_64] : memref<5x!tpu.dma_semaphore, #tpu.memory_space<semaphore_mem>> -> memref<1x!tpu.dma_semaphore, #tpu.memory_space<semaphore_mem>>
    %dma_start3A_72 = tpu.memref_squeeze %dma_start3A_71 : memref<1x!tpu.dma_semaphore, #tpu.memory_space<semaphore_mem>> -> memref<!tpu.dma_semaphore, #tpu.memory_space<semaphore_mem>>
    %dma_start3A_73 = arith.constant 0 : i32
    %dma_start3A_74 = arith.constant 0 : i32
    %dma_start3A_75 = tpu.memref_slice %arg7[%dma_start3A_63, %dma_start3A_73, %dma_start3A_74] : memref<5x128x128xf32, #tpu.memory_space<vmem>> -> memref<1x128x128xf32, #tpu.memory_space<vmem>>
    %dma_start3A_76 = tpu.memref_squeeze %dma_start3A_75 : memref<1x128x128xf32, #tpu.memory_space<vmem>> -> memref<128x128xf32, #tpu.memory_space<vmem>>
    %dma_start3A_77 = arith.constant 0 : i32
    %dma_start3A_78 = tpu.memref_slice %arg8[%rem3A_62, %dma_start3A_77] : memref<400x128xf32, #tpu.memory_space<vmem_shared>> -> memref<128x128xf32, #tpu.memory_space<vmem_shared>>
    tpu.enqueue_dma source(%dma_start3A_78 : memref<128x128xf32, #tpu.memory_space<vmem_shared>>) target(%dma_start3A_76 : memref<128x128xf32, #tpu.memory_space<vmem>>) target_semaphore(%dma_start3A_72 : memref<!tpu.dma_semaphore, #tpu.memory_space<semaphore_mem>>)
    %rem3A_79 = arith.constant 0 : i32
    %rem3A_80 = arith.constant 200 : i32
    %rem3A_81 = arith.remsi %rem3A_79, %rem3A_80 : i32
    %dma_wait3A = arith.constant 0 : i32
    %dma_wait3A_82 = arith.constant 0 : i32
    %dma_wait3A_83 = arith.constant 0 : i32
    %dma_wait3A_84 = arith.constant 0 : i32
    %dma_wait3A_85 = tpu.memref_slice %arg7[%dma_wait3A, %dma_wait3A_83, %dma_wait3A_84] : memref<5x128x128xf32, #tpu.memory_space<vmem>> -> memref<1x128x128xf32, #tpu.memory_space<vmem>>
    %dma_wait3A_86 = tpu.memref_squeeze %dma_wait3A_85 : memref<1x128x128xf32, #tpu.memory_space<vmem>> -> memref<128x128xf32, #tpu.memory_space<vmem>>
    %dma_wait3A_87 = arith.constant 0 : i32
    %dma_wait3A_88 = tpu.memref_slice %arg8[%rem3A_81, %dma_wait3A_87] : memref<400x128xf32, #tpu.memory_space<vmem_shared>> -> memref<128x128xf32, #tpu.memory_space<vmem_shared>>
    %dma_wait3A_89 = tpu.memref_slice %arg9[%dma_wait3A_82] : memref<5x!tpu.dma_semaphore, #tpu.memory_space<semaphore_mem>> -> memref<1x!tpu.dma_semaphore, #tpu.memory_space<semaphore_mem>>
    %dma_wait3A_90 = tpu.memref_squeeze %dma_wait3A_89 : memref<1x!tpu.dma_semaphore, #tpu.memory_space<semaphore_mem>> -> memref<!tpu.dma_semaphore, #tpu.memory_space<semaphore_mem>>
    %dma_wait3A_91 = arith.constant 0 : i32
    %dma_wait3A_92 = arith.constant 0 : i32
    %dma_wait3A_93 = tpu.memref_slice %arg7[%dma_wait3A, %dma_wait3A_91, %dma_wait3A_92] : memref<5x128x128xf32, #tpu.memory_space<vmem>> -> memref<1x128x128xf32, #tpu.memory_space<vmem>>
    %dma_wait3A_94 = tpu.memref_squeeze %dma_wait3A_93 : memref<1x128x128xf32, #tpu.memory_space<vmem>> -> memref<128x128xf32, #tpu.memory_space<vmem>>
    %dma_wait3A_95 = arith.constant 0 : i32
    %dma_wait3A_96 = tpu.memref_slice %arg8[%rem3A_81, %dma_wait3A_95] : memref<400x128xf32, #tpu.memory_space<vmem_shared>> -> memref<128x128xf32, #tpu.memory_space<vmem_shared>>
    tpu.wait_dma2 semaphore(%dma_wait3A_90 : memref<!tpu.dma_semaphore, #tpu.memory_space<semaphore_mem>>) src(%dma_wait3A_96 : memref<128x128xf32, #tpu.memory_space<vmem_shared>>) dst(%dma_wait3A_94 : memref<128x128xf32, #tpu.memory_space<vmem>>)
    %dma_start3A_97 = arith.constant 0 : i32
    %dma_start3A_98 = arith.constant 0 : i32
    %dma_start3A_99 = arith.constant 0 : i32
    %dma_start3A_100 = arith.constant 0 : i32
    %dma_start3A_101 = arith.constant 0 : i32
    %dma_start3A_102 = tpu.memref_slice %arg7[%dma_start3A_98, %dma_start3A_100, %dma_start3A_101] : memref<5x128x128xf32, #tpu.memory_space<vmem>> -> memref<1x128x128xf32, #tpu.memory_space<vmem>>
    %dma_start3A_103 = tpu.memref_squeeze %dma_start3A_102 : memref<1x128x128xf32, #tpu.memory_space<vmem>> -> memref<128x128xf32, #tpu.memory_space<vmem>>
    %dma_start3A_104 = arith.constant 0 : i32
    %dma_start3A_105 = tpu.memref_slice %arg6[%dma_start3A_97, %dma_start3A_104] : memref<200x128xi32, #tpu.memory_space<vmem>> -> memref<1x128xi32, #tpu.memory_space<vmem>>
    %dma_start3A_106 = tpu.memref_squeeze %dma_start3A_105 : memref<1x128xi32, #tpu.memory_space<vmem>> -> memref<128xi32, #tpu.memory_space<vmem>>
    %dma_start3A_107 = arith.constant 0 : i32
    %dma_start3A_108 = arith.constant 0 : i32
    %dma_start3A_109 = tpu.memref_slice %arg3[%dma_start3A_107, %dma_start3A_108] : memref<100000x128xf32, #tpu.memory_space<hbm>> -> memref<100000x128xf32, #tpu.memory_space<hbm>>
    %dma_start3A_110 = tpu.memref_slice %arg10[%dma_start3A_99] : memref<5x!tpu.dma_semaphore, #tpu.memory_space<semaphore_mem>> -> memref<1x!tpu.dma_semaphore, #tpu.memory_space<semaphore_mem>>
    %dma_start3A_111 = tpu.memref_squeeze %dma_start3A_110 : memref<1x!tpu.dma_semaphore, #tpu.memory_space<semaphore_mem>> -> memref<!tpu.dma_semaphore, #tpu.memory_space<semaphore_mem>>
    tpu.enqueue_indirect_dma source(%dma_start3A_109 : memref<100000x128xf32, #tpu.memory_space<hbm>>) target(%dma_start3A_103 : memref<128x128xf32, #tpu.memory_space<vmem>>) offsets(%dma_start3A_106 : memref<128xi32, #tpu.memory_space<vmem>>) semaphore(%dma_start3A_111 : memref<!tpu.dma_semaphore, #tpu.memory_space<semaphore_mem>>) {add = true}
    %rem3A_112 = arith.constant 128 : i32
    %rem3A_113 = arith.constant 200 : i32
    %rem3A_114 = arith.remsi %rem3A_112, %rem3A_113 : i32
    %dma_wait3A_115 = arith.constant 1 : i32
    %dma_wait3A_116 = arith.constant 1 : i32
    %dma_wait3A_117 = arith.constant 0 : i32
    %dma_wait3A_118 = arith.constant 0 : i32
    %dma_wait3A_119 = tpu.memref_slice %arg7[%dma_wait3A_115, %dma_wait3A_117, %dma_wait3A_118] : memref<5x128x128xf32, #tpu.memory_space<vmem>> -> memref<1x128x128xf32, #tpu.memory_space<vmem>>
    %dma_wait3A_120 = tpu.memref_squeeze %dma_wait3A_119 : memref<1x128x128xf32, #tpu.memory_space<vmem>> -> memref<128x128xf32, #tpu.memory_space<vmem>>
    %dma_wait3A_121 = arith.constant 0 : i32
    %dma_wait3A_122 = tpu.memref_slice %arg8[%rem3A_114, %dma_wait3A_121] : memref<400x128xf32, #tpu.memory_space<vmem_shared>> -> memref<128x128xf32, #tpu.memory_space<vmem_shared>>
    %dma_wait3A_123 = tpu.memref_slice %arg9[%dma_wait3A_116] : memref<5x!tpu.dma_semaphore, #tpu.memory_space<semaphore_mem>> -> memref<1x!tpu.dma_semaphore, #tpu.memory_space<semaphore_mem>>
    %dma_wait3A_124 = tpu.memref_squeeze %dma_wait3A_123 : memref<1x!tpu.dma_semaphore, #tpu.memory_space<semaphore_mem>> -> memref<!tpu.dma_semaphore, #tpu.memory_space<semaphore_mem>>
    %dma_wait3A_125 = arith.constant 0 : i32
    %dma_wait3A_126 = arith.constant 0 : i32
    %dma_wait3A_127 = tpu.memref_slice %arg7[%dma_wait3A_115, %dma_wait3A_125, %dma_wait3A_126] : memref<5x128x128xf32, #tpu.memory_space<vmem>> -> memref<1x128x128xf32, #tpu.memory_space<vmem>>
    %dma_wait3A_128 = tpu.memref_squeeze %dma_wait3A_127 : memref<1x128x128xf32, #tpu.memory_space<vmem>> -> memref<128x128xf32, #tpu.memory_space<vmem>>
    %dma_wait3A_129 = arith.constant 0 : i32
    %dma_wait3A_130 = tpu.memref_slice %arg8[%rem3A_114, %dma_wait3A_129] : memref<400x128xf32, #tpu.memory_space<vmem_shared>> -> memref<128x128xf32, #tpu.memory_space<vmem_shared>>
    tpu.wait_dma2 semaphore(%dma_wait3A_124 : memref<!tpu.dma_semaphore, #tpu.memory_space<semaphore_mem>>) src(%dma_wait3A_130 : memref<128x128xf32, #tpu.memory_space<vmem_shared>>) dst(%dma_wait3A_128 : memref<128x128xf32, #tpu.memory_space<vmem>>)
    %dma_start3A_131 = arith.constant 1 : i32
    %dma_start3A_132 = arith.constant 1 : i32
    %dma_start3A_133 = arith.constant 1 : i32
    %dma_start3A_134 = arith.constant 0 : i32
    %dma_start3A_135 = arith.constant 0 : i32
    %dma_start3A_136 = tpu.memref_slice %arg7[%dma_start3A_132, %dma_start3A_134, %dma_start3A_135] : memref<5x128x128xf32, #tpu.memory_space<vmem>> -> memref<1x128x128xf32, #tpu.memory_space<vmem>>
    %dma_start3A_137 = tpu.memref_squeeze %dma_start3A_136 : memref<1x128x128xf32, #tpu.memory_space<vmem>> -> memref<128x128xf32, #tpu.memory_space<vmem>>
    %dma_start3A_138 = arith.constant 0 : i32
    %dma_start3A_139 = tpu.memref_slice %arg6[%dma_start3A_131, %dma_start3A_138] : memref<200x128xi32, #tpu.memory_space<vmem>> -> memref<1x128xi32, #tpu.memory_space<vmem>>
    %dma_start3A_140 = tpu.memref_squeeze %dma_start3A_139 : memref<1x128xi32, #tpu.memory_space<vmem>> -> memref<128xi32, #tpu.memory_space<vmem>>
    %dma_start3A_141 = arith.constant 0 : i32
    %dma_start3A_142 = arith.constant 0 : i32
    %dma_start3A_143 = tpu.memref_slice %arg3[%dma_start3A_141, %dma_start3A_142] : memref<100000x128xf32, #tpu.memory_space<hbm>> -> memref<100000x128xf32, #tpu.memory_space<hbm>>
    %dma_start3A_144 = tpu.memref_slice %arg10[%dma_start3A_133] : memref<5x!tpu.dma_semaphore, #tpu.memory_space<semaphore_mem>> -> memref<1x!tpu.dma_semaphore, #tpu.memory_space<semaphore_mem>>
    %dma_start3A_145 = tpu.memref_squeeze %dma_start3A_144 : memref<1x!tpu.dma_semaphore, #tpu.memory_space<semaphore_mem>> -> memref<!tpu.dma_semaphore, #tpu.memory_space<semaphore_mem>>
    tpu.enqueue_indirect_dma source(%dma_start3A_143 : memref<100000x128xf32, #tpu.memory_space<hbm>>) target(%dma_start3A_137 : memref<128x128xf32, #tpu.memory_space<vmem>>) offsets(%dma_start3A_140 : memref<128xi32, #tpu.memory_space<vmem>>) semaphore(%dma_start3A_145 : memref<!tpu.dma_semaphore, #tpu.memory_space<semaphore_mem>>) {add = true}
    %rem3A_146 = arith.constant 256 : i32
    %rem3A_147 = arith.constant 200 : i32
    %rem3A_148 = arith.remsi %rem3A_146, %rem3A_147 : i32
    %dma_wait3A_149 = arith.constant 2 : i32
    %dma_wait3A_150 = arith.constant 2 : i32
    %dma_wait3A_151 = arith.constant 0 : i32
    %dma_wait3A_152 = arith.constant 0 : i32
    %dma_wait3A_153 = tpu.memref_slice %arg7[%dma_wait3A_149, %dma_wait3A_151, %dma_wait3A_152] : memref<5x128x128xf32, #tpu.memory_space<vmem>> -> memref<1x128x128xf32, #tpu.memory_space<vmem>>
    %dma_wait3A_154 = tpu.memref_squeeze %dma_wait3A_153 : memref<1x128x128xf32, #tpu.memory_space<vmem>> -> memref<128x128xf32, #tpu.memory_space<vmem>>
    %dma_wait3A_155 = arith.constant 0 : i32
    %dma_wait3A_156 = tpu.memref_slice %arg8[%rem3A_148, %dma_wait3A_155] : memref<400x128xf32, #tpu.memory_space<vmem_shared>> -> memref<128x128xf32, #tpu.memory_space<vmem_shared>>
    %dma_wait3A_157 = tpu.memref_slice %arg9[%dma_wait3A_150] : memref<5x!tpu.dma_semaphore, #tpu.memory_space<semaphore_mem>> -> memref<1x!tpu.dma_semaphore, #tpu.memory_space<semaphore_mem>>
    %dma_wait3A_158 = tpu.memref_squeeze %dma_wait3A_157 : memref<1x!tpu.dma_semaphore, #tpu.memory_space<semaphore_mem>> -> memref<!tpu.dma_semaphore, #tpu.memory_space<semaphore_mem>>
    %dma_wait3A_159 = arith.constant 0 : i32
    %dma_wait3A_160 = arith.constant 0 : i32
    %dma_wait3A_161 = tpu.memref_slice %arg7[%dma_wait3A_149, %dma_wait3A_159, %dma_wait3A_160] : memref<5x128x128xf32, #tpu.memory_space<vmem>> -> memref<1x128x128xf32, #tpu.memory_space<vmem>>
    %dma_wait3A_162 = tpu.memref_squeeze %dma_wait3A_161 : memref<1x128x128xf32, #tpu.memory_space<vmem>> -> memref<128x128xf32, #tpu.memory_space<vmem>>
    %dma_wait3A_163 = arith.constant 0 : i32
    %dma_wait3A_164 = tpu.memref_slice %arg8[%rem3A_148, %dma_wait3A_163] : memref<400x128xf32, #tpu.memory_space<vmem_shared>> -> memref<128x128xf32, #tpu.memory_space<vmem_shared>>
    tpu.wait_dma2 semaphore(%dma_wait3A_158 : memref<!tpu.dma_semaphore, #tpu.memory_space<semaphore_mem>>) src(%dma_wait3A_164 : memref<128x128xf32, #tpu.memory_space<vmem_shared>>) dst(%dma_wait3A_162 : memref<128x128xf32, #tpu.memory_space<vmem>>)
    %dma_start3A_165 = arith.constant 2 : i32
    %dma_start3A_166 = arith.constant 2 : i32
    %dma_start3A_167 = arith.constant 2 : i32
    %dma_start3A_168 = arith.constant 0 : i32
    %dma_start3A_169 = arith.constant 0 : i32
    %dma_start3A_170 = tpu.memref_slice %arg7[%dma_start3A_166, %dma_start3A_168, %dma_start3A_169] : memref<5x128x128xf32, #tpu.memory_space<vmem>> -> memref<1x128x128xf32, #tpu.memory_space<vmem>>
    %dma_start3A_171 = tpu.memref_squeeze %dma_start3A_170 : memref<1x128x128xf32, #tpu.memory_space<vmem>> -> memref<128x128xf32, #tpu.memory_space<vmem>>
    %dma_start3A_172 = arith.constant 0 : i32
    %dma_start3A_173 = tpu.memref_slice %arg6[%dma_start3A_165, %dma_start3A_172] : memref<200x128xi32, #tpu.memory_space<vmem>> -> memref<1x128xi32, #tpu.memory_space<vmem>>
    %dma_start3A_174 = tpu.memref_squeeze %dma_start3A_173 : memref<1x128xi32, #tpu.memory_space<vmem>> -> memref<128xi32, #tpu.memory_space<vmem>>
    %dma_start3A_175 = arith.constant 0 : i32
    %dma_start3A_176 = arith.constant 0 : i32
    %dma_start3A_177 = tpu.memref_slice %arg3[%dma_start3A_175, %dma_start3A_176] : memref<100000x128xf32, #tpu.memory_space<hbm>> -> memref<100000x128xf32, #tpu.memory_space<hbm>>
    %dma_start3A_178 = tpu.memref_slice %arg10[%dma_start3A_167] : memref<5x!tpu.dma_semaphore, #tpu.memory_space<semaphore_mem>> -> memref<1x!tpu.dma_semaphore, #tpu.memory_space<semaphore_mem>>
    %dma_start3A_179 = tpu.memref_squeeze %dma_start3A_178 : memref<1x!tpu.dma_semaphore, #tpu.memory_space<semaphore_mem>> -> memref<!tpu.dma_semaphore, #tpu.memory_space<semaphore_mem>>
    tpu.enqueue_indirect_dma source(%dma_start3A_177 : memref<100000x128xf32, #tpu.memory_space<hbm>>) target(%dma_start3A_171 : memref<128x128xf32, #tpu.memory_space<vmem>>) offsets(%dma_start3A_174 : memref<128xi32, #tpu.memory_space<vmem>>) semaphore(%dma_start3A_179 : memref<!tpu.dma_semaphore, #tpu.memory_space<semaphore_mem>>) {add = true}
    %scan3A = arith.constant 0 : i32
    %scan3A_180 = arith.constant 0 : i32
    %scan3A_181 = arith.constant 40 : i32
    %scan3A_182 = arith.addi %scan3A_180, %scan3A_181 : i32
    %scan3A_183 = arith.constant 1 : i32
    scf.for %scan3A_275 = %scan3A_180 to %scan3A_182 step %scan3A_183  : i32 {
      %mul3A_276 = arith.constant 5 : i32
      %mul3A_277 = arith.muli %scan3A_275, %mul3A_276 : i32
      %add3A_278 = arith.constant 0 : i32
      %add3A_279 = arith.addi %mul3A_277, %add3A_278 : i32
      %add3A_280 = arith.constant 5 : i32
      %add3A_281 = arith.addi %add3A_279, %add3A_280 : i32
      %sub3A = arith.constant 1 : i32
      %sub3A_282 = arith.subi %add3A_281, %sub3A : i32
      %lt3A = arith.constant 200 : i32
      %lt3A_283 = arith.cmpi slt, %sub3A_282, %lt3A : i32
      %convert_element_type3A_284 = arith.extui %lt3A_283 : i1 to i32
      %cond3A_285 = arith.constant 0 : i32
      %cond3A_286 = arith.cmpi ne, %convert_element_type3A_284, %cond3A_285 : i32
      scf.if %cond3A_286 {
        %ge3A = arith.constant 1 : i32
        %ge3A_549 = arith.cmpi sge, %add3A_279, %ge3A : i32
        %convert_element_type3A_550 = arith.extui %ge3A_549 : i1 to i32
        %cond3A_551 = arith.constant 0 : i32
        %cond3A_552 = arith.cmpi ne, %convert_element_type3A_550, %cond3A_551 : i32
        scf.if %cond3A_552 {
          %sub3A_577 = arith.constant 1 : i32
          %sub3A_578 = arith.subi %add3A_279, %sub3A_577 : i32
          %mul3A_579 = arith.constant 128 : i32
          %mul3A_580 = arith.muli %sub3A_578, %mul3A_579 : i32
          %add3A_581 = arith.addi %mul3A_2, %mul3A_580 : i32
          %dma_wait3A_582 = arith.constant 4 : i32
          %dma_wait3A_583 = arith.constant 4 : i32
          %dma_wait3A_584 = arith.constant 0 : i32
          %dma_wait3A_585 = arith.constant 0 : i32
          %dma_wait3A_586 = tpu.memref_slice %arg7[%dma_wait3A_582, %dma_wait3A_584, %dma_wait3A_585] : memref<5x128x128xf32, #tpu.memory_space<vmem>> -> memref<1x128x128xf32, #tpu.memory_space<vmem>>
          %dma_wait3A_587 = tpu.memref_squeeze %dma_wait3A_586 : memref<1x128x128xf32, #tpu.memory_space<vmem>> -> memref<128x128xf32, #tpu.memory_space<vmem>>
          %dma_wait3A_588 = arith.constant 0 : i32
          %dma_wait3A_589 = tpu.memref_slice %arg5[%add3A_581, %dma_wait3A_588] : memref<819200x128xf32, #tpu.memory_space<hbm>> -> memref<128x128xf32, #tpu.memory_space<hbm>>
          %dma_wait3A_590 = tpu.memref_slice %arg11[%dma_wait3A_583] : memref<5x!tpu.dma_semaphore, #tpu.memory_space<semaphore_mem>> -> memref<1x!tpu.dma_semaphore, #tpu.memory_space<semaphore_mem>>
          %dma_wait3A_591 = tpu.memref_squeeze %dma_wait3A_590 : memref<1x!tpu.dma_semaphore, #tpu.memory_space<semaphore_mem>> -> memref<!tpu.dma_semaphore, #tpu.memory_space<semaphore_mem>>
          %dma_wait3A_592 = arith.constant 0 : i32
          %dma_wait3A_593 = tpu.memref_slice %arg5[%add3A_581, %dma_wait3A_592] : memref<819200x128xf32, #tpu.memory_space<hbm>> -> memref<128x128xf32, #tpu.memory_space<hbm>>
          %dma_wait3A_594 = arith.constant 0 : i32
          %dma_wait3A_595 = arith.constant 0 : i32
          %dma_wait3A_596 = tpu.memref_slice %arg7[%dma_wait3A_582, %dma_wait3A_594, %dma_wait3A_595] : memref<5x128x128xf32, #tpu.memory_space<vmem>> -> memref<1x128x128xf32, #tpu.memory_space<vmem>>
          %dma_wait3A_597 = tpu.memref_squeeze %dma_wait3A_596 : memref<1x128x128xf32, #tpu.memory_space<vmem>> -> memref<128x128xf32, #tpu.memory_space<vmem>>
          tpu.wait_dma2 semaphore(%dma_wait3A_591 : memref<!tpu.dma_semaphore, #tpu.memory_space<semaphore_mem>>) src(%dma_wait3A_597 : memref<128x128xf32, #tpu.memory_space<vmem>>) dst(%dma_wait3A_593 : memref<128x128xf32, #tpu.memory_space<hbm>>)
        } else {
        }
        %add3A_553 = arith.constant 5 : i32
        %add3A_554 = arith.addi %add3A_279, %add3A_553 : i32
        %sub3A_555 = arith.constant 1 : i32
        %sub3A_556 = arith.subi %add3A_554, %sub3A_555 : i32
        %mul3A_557 = arith.constant 128 : i32
        %mul3A_558 = arith.muli %sub3A_556, %mul3A_557 : i32
        %rem3A_559 = arith.constant 200 : i32
        %rem3A_560 = arith.remsi %mul3A_558, %rem3A_559 : i32
        %dma_start3A_561 = arith.constant 4 : i32
        %dma_start3A_562 = arith.constant 4 : i32
        %dma_start3A_563 = arith.constant 0 : i32
        %dma_start3A_564 = arith.constant 0 : i32
        %dma_start3A_565 = tpu.memref_slice %arg7[%dma_start3A_561, %dma_start3A_563, %dma_start3A_564] : memref<5x128x128xf32, #tpu.memory_space<vmem>> -> memref<1x128x128xf32, #tpu.memory_space<vmem>>
        %dma_start3A_566 = tpu.memref_squeeze %dma_start3A_565 : memref<1x128x128xf32, #tpu.memory_space<vmem>> -> memref<128x128xf32, #tpu.memory_space<vmem>>
        %dma_start3A_567 = arith.constant 0 : i32
        %dma_start3A_568 = tpu.memref_slice %arg8[%rem3A_560, %dma_start3A_567] : memref<400x128xf32, #tpu.memory_space<vmem_shared>> -> memref<128x128xf32, #tpu.memory_space<vmem_shared>>
        %dma_start3A_569 = tpu.memref_slice %arg9[%dma_start3A_562] : memref<5x!tpu.dma_semaphore, #tpu.memory_space<semaphore_mem>> -> memref<1x!tpu.dma_semaphore, #tpu.memory_space<semaphore_mem>>
        %dma_start3A_570 = tpu.memref_squeeze %dma_start3A_569 : memref<1x!tpu.dma_semaphore, #tpu.memory_space<semaphore_mem>> -> memref<!tpu.dma_semaphore, #tpu.memory_space<semaphore_mem>>
        %dma_start3A_571 = arith.constant 0 : i32
        %dma_start3A_572 = arith.constant 0 : i32
        %dma_start3A_573 = tpu.memref_slice %arg7[%dma_start3A_561, %dma_start3A_571, %dma_start3A_572] : memref<5x128x128xf32, #tpu.memory_space<vmem>> -> memref<1x128x128xf32, #tpu.memory_space<vmem>>
        %dma_start3A_574 = tpu.memref_squeeze %dma_start3A_573 : memref<1x128x128xf32, #tpu.memory_space<vmem>> -> memref<128x128xf32, #tpu.memory_space<vmem>>
        %dma_start3A_575 = arith.constant 0 : i32
        %dma_start3A_576 = tpu.memref_slice %arg8[%rem3A_560, %dma_start3A_575] : memref<400x128xf32, #tpu.memory_space<vmem_shared>> -> memref<128x128xf32, #tpu.memory_space<vmem_shared>>
        tpu.enqueue_dma source(%dma_start3A_576 : memref<128x128xf32, #tpu.memory_space<vmem_shared>>) target(%dma_start3A_574 : memref<128x128xf32, #tpu.memory_space<vmem>>) target_semaphore(%dma_start3A_570 : memref<!tpu.dma_semaphore, #tpu.memory_space<semaphore_mem>>)
      } else {
      }
      %add3A_287 = arith.constant 5 : i32
      %add3A_288 = arith.addi %add3A_279, %add3A_287 : i32
      %sub3A_289 = arith.constant 2 : i32
      %sub3A_290 = arith.subi %add3A_288, %sub3A_289 : i32
      %lt3A_291 = arith.constant 200 : i32
      %lt3A_292 = arith.cmpi slt, %sub3A_290, %lt3A_291 : i32
      %convert_element_type3A_293 = arith.extui %lt3A_292 : i1 to i32
      %cond3A_294 = arith.constant 0 : i32
      %cond3A_295 = arith.cmpi ne, %convert_element_type3A_293, %cond3A_294 : i32
      scf.if %cond3A_295 {
        %add3A_549 = arith.constant 5 : i32
        %add3A_550 = arith.addi %add3A_279, %add3A_549 : i32
        %sub3A_551 = arith.constant 2 : i32
        %sub3A_552 = arith.subi %add3A_550, %sub3A_551 : i32
        %mul3A_553 = arith.constant 128 : i32
        %mul3A_554 = arith.muli %sub3A_552, %mul3A_553 : i32
        %rem3A_555 = arith.constant 200 : i32
        %rem3A_556 = arith.remsi %mul3A_554, %rem3A_555 : i32
        %dma_wait3A_557 = arith.constant 3 : i32
        %dma_wait3A_558 = arith.constant 3 : i32
        %dma_wait3A_559 = arith.constant 0 : i32
        %dma_wait3A_560 = arith.constant 0 : i32
        %dma_wait3A_561 = tpu.memref_slice %arg7[%dma_wait3A_557, %dma_wait3A_559, %dma_wait3A_560] : memref<5x128x128xf32, #tpu.memory_space<vmem>> -> memref<1x128x128xf32, #tpu.memory_space<vmem>>
        %dma_wait3A_562 = tpu.memref_squeeze %dma_wait3A_561 : memref<1x128x128xf32, #tpu.memory_space<vmem>> -> memref<128x128xf32, #tpu.memory_space<vmem>>
        %dma_wait3A_563 = arith.constant 0 : i32
        %dma_wait3A_564 = tpu.memref_slice %arg8[%rem3A_556, %dma_wait3A_563] : memref<400x128xf32, #tpu.memory_space<vmem_shared>> -> memref<128x128xf32, #tpu.memory_space<vmem_shared>>
        %dma_wait3A_565 = tpu.memref_slice %arg9[%dma_wait3A_558] : memref<5x!tpu.dma_semaphore, #tpu.memory_space<semaphore_mem>> -> memref<1x!tpu.dma_semaphore, #tpu.memory_space<semaphore_mem>>
        %dma_wait3A_566 = tpu.memref_squeeze %dma_wait3A_565 : memref<1x!tpu.dma_semaphore, #tpu.memory_space<semaphore_mem>> -> memref<!tpu.dma_semaphore, #tpu.memory_space<semaphore_mem>>
        %dma_wait3A_567 = arith.constant 0 : i32
        %dma_wait3A_568 = arith.constant 0 : i32
        %dma_wait3A_569 = tpu.memref_slice %arg7[%dma_wait3A_557, %dma_wait3A_567, %dma_wait3A_568] : memref<5x128x128xf32, #tpu.memory_space<vmem>> -> memref<1x128x128xf32, #tpu.memory_space<vmem>>
        %dma_wait3A_570 = tpu.memref_squeeze %dma_wait3A_569 : memref<1x128x128xf32, #tpu.memory_space<vmem>> -> memref<128x128xf32, #tpu.memory_space<vmem>>
        %dma_wait3A_571 = arith.constant 0 : i32
        %dma_wait3A_572 = tpu.memref_slice %arg8[%rem3A_556, %dma_wait3A_571] : memref<400x128xf32, #tpu.memory_space<vmem_shared>> -> memref<128x128xf32, #tpu.memory_space<vmem_shared>>
        tpu.wait_dma2 semaphore(%dma_wait3A_566 : memref<!tpu.dma_semaphore, #tpu.memory_space<semaphore_mem>>) src(%dma_wait3A_572 : memref<128x128xf32, #tpu.memory_space<vmem_shared>>) dst(%dma_wait3A_570 : memref<128x128xf32, #tpu.memory_space<vmem>>)
        %add3A_573 = arith.constant 5 : i32
        %add3A_574 = arith.addi %add3A_279, %add3A_573 : i32
        %sub3A_575 = arith.constant 2 : i32
        %sub3A_576 = arith.subi %add3A_574, %sub3A_575 : i32
        %dma_start3A_577 = arith.constant 3 : i32
        %dma_start3A_578 = arith.constant 3 : i32
        %dma_start3A_579 = arith.constant 0 : i32
        %dma_start3A_580 = arith.constant 0 : i32
        %dma_start3A_581 = tpu.memref_slice %arg7[%dma_start3A_577, %dma_start3A_579, %dma_start3A_580] : memref<5x128x128xf32, #tpu.memory_space<vmem>> -> memref<1x128x128xf32, #tpu.memory_space<vmem>>
        %dma_start3A_582 = tpu.memref_squeeze %dma_start3A_581 : memref<1x128x128xf32, #tpu.memory_space<vmem>> -> memref<128x128xf32, #tpu.memory_space<vmem>>
        %dma_start3A_583 = arith.constant 0 : i32
        %dma_start3A_584 = tpu.memref_slice %arg6[%sub3A_576, %dma_start3A_583] : memref<200x128xi32, #tpu.memory_space<vmem>> -> memref<1x128xi32, #tpu.memory_space<vmem>>
        %dma_start3A_585 = tpu.memref_squeeze %dma_start3A_584 : memref<1x128xi32, #tpu.memory_space<vmem>> -> memref<128xi32, #tpu.memory_space<vmem>>
        %dma_start3A_586 = arith.constant 0 : i32
        %dma_start3A_587 = arith.constant 0 : i32
        %dma_start3A_588 = tpu.memref_slice %arg3[%dma_start3A_586, %dma_start3A_587] : memref<100000x128xf32, #tpu.memory_space<hbm>> -> memref<100000x128xf32, #tpu.memory_space<hbm>>
        %dma_start3A_589 = tpu.memref_slice %arg10[%dma_start3A_578] : memref<5x!tpu.dma_semaphore, #tpu.memory_space<semaphore_mem>> -> memref<1x!tpu.dma_semaphore, #tpu.memory_space<semaphore_mem>>
        %dma_start3A_590 = tpu.memref_squeeze %dma_start3A_589 : memref<1x!tpu.dma_semaphore, #tpu.memory_space<semaphore_mem>> -> memref<!tpu.dma_semaphore, #tpu.memory_space<semaphore_mem>>
        tpu.enqueue_indirect_dma source(%dma_start3A_588 : memref<100000x128xf32, #tpu.memory_space<hbm>>) target(%dma_start3A_582 : memref<128x128xf32, #tpu.memory_space<vmem>>) offsets(%dma_start3A_585 : memref<128xi32, #tpu.memory_space<vmem>>) semaphore(%dma_start3A_590 : memref<!tpu.dma_semaphore, #tpu.memory_space<semaphore_mem>>) {add = true}
      } else {
      }
      %dma_wait3A_296 = arith.constant 0 : i32
      %dma_wait3A_297 = arith.constant 0 : i32
      %dma_wait3A_298 = arith.constant 0 : i32
      %dma_wait3A_299 = arith.constant 0 : i32
      %dma_wait3A_300 = tpu.memref_slice %arg7[%dma_wait3A_296, %dma_wait3A_298, %dma_wait3A_299] : memref<5x128x128xf32, #tpu.memory_space<vmem>> -> memref<1x128x128xf32, #tpu.memory_space<vmem>>
      %dma_wait3A_301 = tpu.memref_squeeze %dma_wait3A_300 : memref<1x128x128xf32, #tpu.memory_space<vmem>> -> memref<128x128xf32, #tpu.memory_space<vmem>>
      %dma_wait3A_302 = arith.constant 0 : i32
      %dma_wait3A_303 = tpu.memref_slice %arg6[%add3A_279, %dma_wait3A_302] : memref<200x128xi32, #tpu.memory_space<vmem>> -> memref<1x128xi32, #tpu.memory_space<vmem>>
      %dma_wait3A_304 = tpu.memref_squeeze %dma_wait3A_303 : memref<1x128xi32, #tpu.memory_space<vmem>> -> memref<128xi32, #tpu.memory_space<vmem>>
      %dma_wait3A_305 = arith.constant 0 : i32
      %dma_wait3A_306 = arith.constant 0 : i32
      %dma_wait3A_307 = tpu.memref_slice %arg3[%dma_wait3A_305, %dma_wait3A_306] : memref<100000x128xf32, #tpu.memory_space<hbm>> -> memref<100000x128xf32, #tpu.memory_space<hbm>>
      %dma_wait3A_308 = tpu.memref_slice %arg10[%dma_wait3A_297] : memref<5x!tpu.dma_semaphore, #tpu.memory_space<semaphore_mem>> -> memref<1x!tpu.dma_semaphore, #tpu.memory_space<semaphore_mem>>
      %dma_wait3A_309 = tpu.memref_squeeze %dma_wait3A_308 : memref<1x!tpu.dma_semaphore, #tpu.memory_space<semaphore_mem>> -> memref<!tpu.dma_semaphore, #tpu.memory_space<semaphore_mem>>
      tpu.wait_indirect_dma semaphore(%dma_wait3A_309 : memref<!tpu.dma_semaphore, #tpu.memory_space<semaphore_mem>>) src(%dma_wait3A_307 : memref<100000x128xf32, #tpu.memory_space<hbm>>) dst(%dma_wait3A_301 : memref<128x128xf32, #tpu.memory_space<vmem>>)
      %mul3A_310 = arith.constant 128 : i32
      %mul3A_311 = arith.muli %add3A_279, %mul3A_310 : i32
      %add3A_312 = arith.addi %mul3A_2, %mul3A_311 : i32
      %dma_start3A_313 = arith.constant 0 : i32
      %dma_start3A_314 = arith.constant 0 : i32
      %dma_start3A_315 = arith.constant 0 : i32
      %dma_start3A_316 = arith.constant 0 : i32
      %dma_start3A_317 = tpu.memref_slice %arg7[%dma_start3A_313, %dma_start3A_315, %dma_start3A_316] : memref<5x128x128xf32, #tpu.memory_space<vmem>> -> memref<1x128x128xf32, #tpu.memory_space<vmem>>
      %dma_start3A_318 = tpu.memref_squeeze %dma_start3A_317 : memref<1x128x128xf32, #tpu.memory_space<vmem>> -> memref<128x128xf32, #tpu.memory_space<vmem>>
      %dma_start3A_319 = arith.constant 0 : i32
      %dma_start3A_320 = tpu.memref_slice %arg5[%add3A_312, %dma_start3A_319] : memref<819200x128xf32, #tpu.memory_space<hbm>> -> memref<128x128xf32, #tpu.memory_space<hbm>>
      %dma_start3A_321 = tpu.memref_slice %arg11[%dma_start3A_314] : memref<5x!tpu.dma_semaphore, #tpu.memory_space<semaphore_mem>> -> memref<1x!tpu.dma_semaphore, #tpu.memory_space<semaphore_mem>>
      %dma_start3A_322 = tpu.memref_squeeze %dma_start3A_321 : memref<1x!tpu.dma_semaphore, #tpu.memory_space<semaphore_mem>> -> memref<!tpu.dma_semaphore, #tpu.memory_space<semaphore_mem>>
      %dma_start3A_323 = arith.constant 0 : i32
      %dma_start3A_324 = tpu.memref_slice %arg5[%add3A_312, %dma_start3A_323] : memref<819200x128xf32, #tpu.memory_space<hbm>> -> memref<128x128xf32, #tpu.memory_space<hbm>>
      %dma_start3A_325 = arith.constant 0 : i32
      %dma_start3A_326 = arith.constant 0 : i32
      %dma_start3A_327 = tpu.memref_slice %arg7[%dma_start3A_313, %dma_start3A_325, %dma_start3A_326] : memref<5x128x128xf32, #tpu.memory_space<vmem>> -> memref<1x128x128xf32, #tpu.memory_space<vmem>>
      %dma_start3A_328 = tpu.memref_squeeze %dma_start3A_327 : memref<1x128x128xf32, #tpu.memory_space<vmem>> -> memref<128x128xf32, #tpu.memory_space<vmem>>
      tpu.enqueue_dma source(%dma_start3A_328 : memref<128x128xf32, #tpu.memory_space<vmem>>) target(%dma_start3A_324 : memref<128x128xf32, #tpu.memory_space<hbm>>) target_semaphore(%dma_start3A_322 : memref<!tpu.dma_semaphore, #tpu.memory_space<semaphore_mem>>)
      %mul3A_329 = arith.constant 5 : i32
      %mul3A_330 = arith.muli %scan3A_275, %mul3A_329 : i32
      %add3A_331 = arith.constant 1 : i32
      %add3A_332 = arith.addi %mul3A_330, %add3A_331 : i32
      %add3A_333 = arith.constant 5 : i32
      %add3A_334 = arith.addi %add3A_332, %add3A_333 : i32
      %sub3A_335 = arith.constant 1 : i32
      %sub3A_336 = arith.subi %add3A_334, %sub3A_335 : i32
      %lt3A_337 = arith.constant 200 : i32
      %lt3A_338 = arith.cmpi slt, %sub3A_336, %lt3A_337 : i32
      %convert_element_type3A_339 = arith.extui %lt3A_338 : i1 to i32
      %cond3A_340 = arith.constant 0 : i32
      %cond3A_341 = arith.cmpi ne, %convert_element_type3A_339, %cond3A_340 : i32
      scf.if %cond3A_341 {
        %ge3A = arith.constant 1 : i32
        %ge3A_549 = arith.cmpi sge, %add3A_332, %ge3A : i32
        %convert_element_type3A_550 = arith.extui %ge3A_549 : i1 to i32
        %cond3A_551 = arith.constant 0 : i32
        %cond3A_552 = arith.cmpi ne, %convert_element_type3A_550, %cond3A_551 : i32
        scf.if %cond3A_552 {
          %sub3A_577 = arith.constant 1 : i32
          %sub3A_578 = arith.subi %add3A_332, %sub3A_577 : i32
          %mul3A_579 = arith.constant 128 : i32
          %mul3A_580 = arith.muli %sub3A_578, %mul3A_579 : i32
          %add3A_581 = arith.addi %mul3A_2, %mul3A_580 : i32
          %dma_wait3A_582 = arith.constant 0 : i32
          %dma_wait3A_583 = arith.constant 0 : i32
          %dma_wait3A_584 = arith.constant 0 : i32
          %dma_wait3A_585 = arith.constant 0 : i32
          %dma_wait3A_586 = tpu.memref_slice %arg7[%dma_wait3A_582, %dma_wait3A_584, %dma_wait3A_585] : memref<5x128x128xf32, #tpu.memory_space<vmem>> -> memref<1x128x128xf32, #tpu.memory_space<vmem>>
          %dma_wait3A_587 = tpu.memref_squeeze %dma_wait3A_586 : memref<1x128x128xf32, #tpu.memory_space<vmem>> -> memref<128x128xf32, #tpu.memory_space<vmem>>
          %dma_wait3A_588 = arith.constant 0 : i32
          %dma_wait3A_589 = tpu.memref_slice %arg5[%add3A_581, %dma_wait3A_588] : memref<819200x128xf32, #tpu.memory_space<hbm>> -> memref<128x128xf32, #tpu.memory_space<hbm>>
          %dma_wait3A_590 = tpu.memref_slice %arg11[%dma_wait3A_583] : memref<5x!tpu.dma_semaphore, #tpu.memory_space<semaphore_mem>> -> memref<1x!tpu.dma_semaphore, #tpu.memory_space<semaphore_mem>>
          %dma_wait3A_591 = tpu.memref_squeeze %dma_wait3A_590 : memref<1x!tpu.dma_semaphore, #tpu.memory_space<semaphore_mem>> -> memref<!tpu.dma_semaphore, #tpu.memory_space<semaphore_mem>>
          %dma_wait3A_592 = arith.constant 0 : i32
          %dma_wait3A_593 = tpu.memref_slice %arg5[%add3A_581, %dma_wait3A_592] : memref<819200x128xf32, #tpu.memory_space<hbm>> -> memref<128x128xf32, #tpu.memory_space<hbm>>
          %dma_wait3A_594 = arith.constant 0 : i32
          %dma_wait3A_595 = arith.constant 0 : i32
          %dma_wait3A_596 = tpu.memref_slice %arg7[%dma_wait3A_582, %dma_wait3A_594, %dma_wait3A_595] : memref<5x128x128xf32, #tpu.memory_space<vmem>> -> memref<1x128x128xf32, #tpu.memory_space<vmem>>
          %dma_wait3A_597 = tpu.memref_squeeze %dma_wait3A_596 : memref<1x128x128xf32, #tpu.memory_space<vmem>> -> memref<128x128xf32, #tpu.memory_space<vmem>>
          tpu.wait_dma2 semaphore(%dma_wait3A_591 : memref<!tpu.dma_semaphore, #tpu.memory_space<semaphore_mem>>) src(%dma_wait3A_597 : memref<128x128xf32, #tpu.memory_space<vmem>>) dst(%dma_wait3A_593 : memref<128x128xf32, #tpu.memory_space<hbm>>)
        } else {
        }
        %add3A_553 = arith.constant 5 : i32
        %add3A_554 = arith.addi %add3A_332, %add3A_553 : i32
        %sub3A_555 = arith.constant 1 : i32
        %sub3A_556 = arith.subi %add3A_554, %sub3A_555 : i32
        %mul3A_557 = arith.constant 128 : i32
        %mul3A_558 = arith.muli %sub3A_556, %mul3A_557 : i32
        %rem3A_559 = arith.constant 200 : i32
        %rem3A_560 = arith.remsi %mul3A_558, %rem3A_559 : i32
        %dma_start3A_561 = arith.constant 0 : i32
        %dma_start3A_562 = arith.constant 0 : i32
        %dma_start3A_563 = arith.constant 0 : i32
        %dma_start3A_564 = arith.constant 0 : i32
        %dma_start3A_565 = tpu.memref_slice %arg7[%dma_start3A_561, %dma_start3A_563, %dma_start3A_564] : memref<5x128x128xf32, #tpu.memory_space<vmem>> -> memref<1x128x128xf32, #tpu.memory_space<vmem>>
        %dma_start3A_566 = tpu.memref_squeeze %dma_start3A_565 : memref<1x128x128xf32, #tpu.memory_space<vmem>> -> memref<128x128xf32, #tpu.memory_space<vmem>>
        %dma_start3A_567 = arith.constant 0 : i32
        %dma_start3A_568 = tpu.memref_slice %arg8[%rem3A_560, %dma_start3A_567] : memref<400x128xf32, #tpu.memory_space<vmem_shared>> -> memref<128x128xf32, #tpu.memory_space<vmem_shared>>
        %dma_start3A_569 = tpu.memref_slice %arg9[%dma_start3A_562] : memref<5x!tpu.dma_semaphore, #tpu.memory_space<semaphore_mem>> -> memref<1x!tpu.dma_semaphore, #tpu.memory_space<semaphore_mem>>
        %dma_start3A_570 = tpu.memref_squeeze %dma_start3A_569 : memref<1x!tpu.dma_semaphore, #tpu.memory_space<semaphore_mem>> -> memref<!tpu.dma_semaphore, #tpu.memory_space<semaphore_mem>>
        %dma_start3A_571 = arith.constant 0 : i32
        %dma_start3A_572 = arith.constant 0 : i32
        %dma_start3A_573 = tpu.memref_slice %arg7[%dma_start3A_561, %dma_start3A_571, %dma_start3A_572] : memref<5x128x128xf32, #tpu.memory_space<vmem>> -> memref<1x128x128xf32, #tpu.memory_space<vmem>>
        %dma_start3A_574 = tpu.memref_squeeze %dma_start3A_573 : memref<1x128x128xf32, #tpu.memory_space<vmem>> -> memref<128x128xf32, #tpu.memory_space<vmem>>
        %dma_start3A_575 = arith.constant 0 : i32
        %dma_start3A_576 = tpu.memref_slice %arg8[%rem3A_560, %dma_start3A_575] : memref<400x128xf32, #tpu.memory_space<vmem_shared>> -> memref<128x128xf32, #tpu.memory_space<vmem_shared>>
        tpu.enqueue_dma source(%dma_start3A_576 : memref<128x128xf32, #tpu.memory_space<vmem_shared>>) target(%dma_start3A_574 : memref<128x128xf32, #tpu.memory_space<vmem>>) target_semaphore(%dma_start3A_570 : memref<!tpu.dma_semaphore, #tpu.memory_space<semaphore_mem>>)
      } else {
      }
      %add3A_342 = arith.constant 5 : i32
      %add3A_343 = arith.addi %add3A_332, %add3A_342 : i32
      %sub3A_344 = arith.constant 2 : i32
      %sub3A_345 = arith.subi %add3A_343, %sub3A_344 : i32
      %lt3A_346 = arith.constant 200 : i32
      %lt3A_347 = arith.cmpi slt, %sub3A_345, %lt3A_346 : i32
      %convert_element_type3A_348 = arith.extui %lt3A_347 : i1 to i32
      %cond3A_349 = arith.constant 0 : i32
      %cond3A_350 = arith.cmpi ne, %convert_element_type3A_348, %cond3A_349 : i32
      scf.if %cond3A_350 {
        %add3A_549 = arith.constant 5 : i32
        %add3A_550 = arith.addi %add3A_332, %add3A_549 : i32
        %sub3A_551 = arith.constant 2 : i32
        %sub3A_552 = arith.subi %add3A_550, %sub3A_551 : i32
        %mul3A_553 = arith.constant 128 : i32
        %mul3A_554 = arith.muli %sub3A_552, %mul3A_553 : i32
        %rem3A_555 = arith.constant 200 : i32
        %rem3A_556 = arith.remsi %mul3A_554, %rem3A_555 : i32
        %dma_wait3A_557 = arith.constant 4 : i32
        %dma_wait3A_558 = arith.constant 4 : i32
        %dma_wait3A_559 = arith.constant 0 : i32
        %dma_wait3A_560 = arith.constant 0 : i32
        %dma_wait3A_561 = tpu.memref_slice %arg7[%dma_wait3A_557, %dma_wait3A_559, %dma_wait3A_560] : memref<5x128x128xf32, #tpu.memory_space<vmem>> -> memref<1x128x128xf32, #tpu.memory_space<vmem>>
        %dma_wait3A_562 = tpu.memref_squeeze %dma_wait3A_561 : memref<1x128x128xf32, #tpu.memory_space<vmem>> -> memref<128x128xf32, #tpu.memory_space<vmem>>
        %dma_wait3A_563 = arith.constant 0 : i32
        %dma_wait3A_564 = tpu.memref_slice %arg8[%rem3A_556, %dma_wait3A_563] : memref<400x128xf32, #tpu.memory_space<vmem_shared>> -> memref<128x128xf32, #tpu.memory_space<vmem_shared>>
        %dma_wait3A_565 = tpu.memref_slice %arg9[%dma_wait3A_558] : memref<5x!tpu.dma_semaphore, #tpu.memory_space<semaphore_mem>> -> memref<1x!tpu.dma_semaphore, #tpu.memory_space<semaphore_mem>>
        %dma_wait3A_566 = tpu.memref_squeeze %dma_wait3A_565 : memref<1x!tpu.dma_semaphore, #tpu.memory_space<semaphore_mem>> -> memref<!tpu.dma_semaphore, #tpu.memory_space<semaphore_mem>>
        %dma_wait3A_567 = arith.constant 0 : i32
        %dma_wait3A_568 = arith.constant 0 : i32
        %dma_wait3A_569 = tpu.memref_slice %arg7[%dma_wait3A_557, %dma_wait3A_567, %dma_wait3A_568] : memref<5x128x128xf32, #tpu.memory_space<vmem>> -> memref<1x128x128xf32, #tpu.memory_space<vmem>>
        %dma_wait3A_570 = tpu.memref_squeeze %dma_wait3A_569 : memref<1x128x128xf32, #tpu.memory_space<vmem>> -> memref<128x128xf32, #tpu.memory_space<vmem>>
        %dma_wait3A_571 = arith.constant 0 : i32
        %dma_wait3A_572 = tpu.memref_slice %arg8[%rem3A_556, %dma_wait3A_571] : memref<400x128xf32, #tpu.memory_space<vmem_shared>> -> memref<128x128xf32, #tpu.memory_space<vmem_shared>>
        tpu.wait_dma2 semaphore(%dma_wait3A_566 : memref<!tpu.dma_semaphore, #tpu.memory_space<semaphore_mem>>) src(%dma_wait3A_572 : memref<128x128xf32, #tpu.memory_space<vmem_shared>>) dst(%dma_wait3A_570 : memref<128x128xf32, #tpu.memory_space<vmem>>)
        %add3A_573 = arith.constant 5 : i32
        %add3A_574 = arith.addi %add3A_332, %add3A_573 : i32
        %sub3A_575 = arith.constant 2 : i32
        %sub3A_576 = arith.subi %add3A_574, %sub3A_575 : i32
        %dma_start3A_577 = arith.constant 4 : i32
        %dma_start3A_578 = arith.constant 4 : i32
        %dma_start3A_579 = arith.constant 0 : i32
        %dma_start3A_580 = arith.constant 0 : i32
        %dma_start3A_581 = tpu.memref_slice %arg7[%dma_start3A_577, %dma_start3A_579, %dma_start3A_580] : memref<5x128x128xf32, #tpu.memory_space<vmem>> -> memref<1x128x128xf32, #tpu.memory_space<vmem>>
        %dma_start3A_582 = tpu.memref_squeeze %dma_start3A_581 : memref<1x128x128xf32, #tpu.memory_space<vmem>> -> memref<128x128xf32, #tpu.memory_space<vmem>>
        %dma_start3A_583 = arith.constant 0 : i32
        %dma_start3A_584 = tpu.memref_slice %arg6[%sub3A_576, %dma_start3A_583] : memref<200x128xi32, #tpu.memory_space<vmem>> -> memref<1x128xi32, #tpu.memory_space<vmem>>
        %dma_start3A_585 = tpu.memref_squeeze %dma_start3A_584 : memref<1x128xi32, #tpu.memory_space<vmem>> -> memref<128xi32, #tpu.memory_space<vmem>>
        %dma_start3A_586 = arith.constant 0 : i32
        %dma_start3A_587 = arith.constant 0 : i32
        %dma_start3A_588 = tpu.memref_slice %arg3[%dma_start3A_586, %dma_start3A_587] : memref<100000x128xf32, #tpu.memory_space<hbm>> -> memref<100000x128xf32, #tpu.memory_space<hbm>>
        %dma_start3A_589 = tpu.memref_slice %arg10[%dma_start3A_578] : memref<5x!tpu.dma_semaphore, #tpu.memory_space<semaphore_mem>> -> memref<1x!tpu.dma_semaphore, #tpu.memory_space<semaphore_mem>>
        %dma_start3A_590 = tpu.memref_squeeze %dma_start3A_589 : memref<1x!tpu.dma_semaphore, #tpu.memory_space<semaphore_mem>> -> memref<!tpu.dma_semaphore, #tpu.memory_space<semaphore_mem>>
        tpu.enqueue_indirect_dma source(%dma_start3A_588 : memref<100000x128xf32, #tpu.memory_space<hbm>>) target(%dma_start3A_582 : memref<128x128xf32, #tpu.memory_space<vmem>>) offsets(%dma_start3A_585 : memref<128xi32, #tpu.memory_space<vmem>>) semaphore(%dma_start3A_590 : memref<!tpu.dma_semaphore, #tpu.memory_space<semaphore_mem>>) {add = true}
      } else {
      }
      %dma_wait3A_351 = arith.constant 1 : i32
      %dma_wait3A_352 = arith.constant 1 : i32
      %dma_wait3A_353 = arith.constant 0 : i32
      %dma_wait3A_354 = arith.constant 0 : i32
      %dma_wait3A_355 = tpu.memref_slice %arg7[%dma_wait3A_351, %dma_wait3A_353, %dma_wait3A_354] : memref<5x128x128xf32, #tpu.memory_space<vmem>> -> memref<1x128x128xf32, #tpu.memory_space<vmem>>
      %dma_wait3A_356 = tpu.memref_squeeze %dma_wait3A_355 : memref<1x128x128xf32, #tpu.memory_space<vmem>> -> memref<128x128xf32, #tpu.memory_space<vmem>>
      %dma_wait3A_357 = arith.constant 0 : i32
      %dma_wait3A_358 = tpu.memref_slice %arg6[%add3A_332, %dma_wait3A_357] : memref<200x128xi32, #tpu.memory_space<vmem>> -> memref<1x128xi32, #tpu.memory_space<vmem>>
      %dma_wait3A_359 = tpu.memref_squeeze %dma_wait3A_358 : memref<1x128xi32, #tpu.memory_space<vmem>> -> memref<128xi32, #tpu.memory_space<vmem>>
      %dma_wait3A_360 = arith.constant 0 : i32
      %dma_wait3A_361 = arith.constant 0 : i32
      %dma_wait3A_362 = tpu.memref_slice %arg3[%dma_wait3A_360, %dma_wait3A_361] : memref<100000x128xf32, #tpu.memory_space<hbm>> -> memref<100000x128xf32, #tpu.memory_space<hbm>>
      %dma_wait3A_363 = tpu.memref_slice %arg10[%dma_wait3A_352] : memref<5x!tpu.dma_semaphore, #tpu.memory_space<semaphore_mem>> -> memref<1x!tpu.dma_semaphore, #tpu.memory_space<semaphore_mem>>
      %dma_wait3A_364 = tpu.memref_squeeze %dma_wait3A_363 : memref<1x!tpu.dma_semaphore, #tpu.memory_space<semaphore_mem>> -> memref<!tpu.dma_semaphore, #tpu.memory_space<semaphore_mem>>
      tpu.wait_indirect_dma semaphore(%dma_wait3A_364 : memref<!tpu.dma_semaphore, #tpu.memory_space<semaphore_mem>>) src(%dma_wait3A_362 : memref<100000x128xf32, #tpu.memory_space<hbm>>) dst(%dma_wait3A_356 : memref<128x128xf32, #tpu.memory_space<vmem>>)
      %mul3A_365 = arith.constant 128 : i32
      %mul3A_366 = arith.muli %add3A_332, %mul3A_365 : i32
      %add3A_367 = arith.addi %mul3A_2, %mul3A_366 : i32
      %dma_start3A_368 = arith.constant 1 : i32
      %dma_start3A_369 = arith.constant 1 : i32
      %dma_start3A_370 = arith.constant 0 : i32
      %dma_start3A_371 = arith.constant 0 : i32
      %dma_start3A_372 = tpu.memref_slice %arg7[%dma_start3A_368, %dma_start3A_370, %dma_start3A_371] : memref<5x128x128xf32, #tpu.memory_space<vmem>> -> memref<1x128x128xf32, #tpu.memory_space<vmem>>
      %dma_start3A_373 = tpu.memref_squeeze %dma_start3A_372 : memref<1x128x128xf32, #tpu.memory_space<vmem>> -> memref<128x128xf32, #tpu.memory_space<vmem>>
      %dma_start3A_374 = arith.constant 0 : i32
      %dma_start3A_375 = tpu.memref_slice %arg5[%add3A_367, %dma_start3A_374] : memref<819200x128xf32, #tpu.memory_space<hbm>> -> memref<128x128xf32, #tpu.memory_space<hbm>>
      %dma_start3A_376 = tpu.memref_slice %arg11[%dma_start3A_369] : memref<5x!tpu.dma_semaphore, #tpu.memory_space<semaphore_mem>> -> memref<1x!tpu.dma_semaphore, #tpu.memory_space<semaphore_mem>>
      %dma_start3A_377 = tpu.memref_squeeze %dma_start3A_376 : memref<1x!tpu.dma_semaphore, #tpu.memory_space<semaphore_mem>> -> memref<!tpu.dma_semaphore, #tpu.memory_space<semaphore_mem>>
      %dma_start3A_378 = arith.constant 0 : i32
      %dma_start3A_379 = tpu.memref_slice %arg5[%add3A_367, %dma_start3A_378] : memref<819200x128xf32, #tpu.memory_space<hbm>> -> memref<128x128xf32, #tpu.memory_space<hbm>>
      %dma_start3A_380 = arith.constant 0 : i32
      %dma_start3A_381 = arith.constant 0 : i32
      %dma_start3A_382 = tpu.memref_slice %arg7[%dma_start3A_368, %dma_start3A_380, %dma_start3A_381] : memref<5x128x128xf32, #tpu.memory_space<vmem>> -> memref<1x128x128xf32, #tpu.memory_space<vmem>>
      %dma_start3A_383 = tpu.memref_squeeze %dma_start3A_382 : memref<1x128x128xf32, #tpu.memory_space<vmem>> -> memref<128x128xf32, #tpu.memory_space<vmem>>
      tpu.enqueue_dma source(%dma_start3A_383 : memref<128x128xf32, #tpu.memory_space<vmem>>) target(%dma_start3A_379 : memref<128x128xf32, #tpu.memory_space<hbm>>) target_semaphore(%dma_start3A_377 : memref<!tpu.dma_semaphore, #tpu.memory_space<semaphore_mem>>)
      %mul3A_384 = arith.constant 5 : i32
      %mul3A_385 = arith.muli %scan3A_275, %mul3A_384 : i32
      %add3A_386 = arith.constant 2 : i32
      %add3A_387 = arith.addi %mul3A_385, %add3A_386 : i32
      %add3A_388 = arith.constant 5 : i32
      %add3A_389 = arith.addi %add3A_387, %add3A_388 : i32
      %sub3A_390 = arith.constant 1 : i32
      %sub3A_391 = arith.subi %add3A_389, %sub3A_390 : i32
      %lt3A_392 = arith.constant 200 : i32
      %lt3A_393 = arith.cmpi slt, %sub3A_391, %lt3A_392 : i32
      %convert_element_type3A_394 = arith.extui %lt3A_393 : i1 to i32
      %cond3A_395 = arith.constant 0 : i32
      %cond3A_396 = arith.cmpi ne, %convert_element_type3A_394, %cond3A_395 : i32
      scf.if %cond3A_396 {
        %ge3A = arith.constant 1 : i32
        %ge3A_549 = arith.cmpi sge, %add3A_387, %ge3A : i32
        %convert_element_type3A_550 = arith.extui %ge3A_549 : i1 to i32
        %cond3A_551 = arith.constant 0 : i32
        %cond3A_552 = arith.cmpi ne, %convert_element_type3A_550, %cond3A_551 : i32
        scf.if %cond3A_552 {
          %sub3A_577 = arith.constant 1 : i32
          %sub3A_578 = arith.subi %add3A_387, %sub3A_577 : i32
          %mul3A_579 = arith.constant 128 : i32
          %mul3A_580 = arith.muli %sub3A_578, %mul3A_579 : i32
          %add3A_581 = arith.addi %mul3A_2, %mul3A_580 : i32
          %dma_wait3A_582 = arith.constant 1 : i32
          %dma_wait3A_583 = arith.constant 1 : i32
          %dma_wait3A_584 = arith.constant 0 : i32
          %dma_wait3A_585 = arith.constant 0 : i32
          %dma_wait3A_586 = tpu.memref_slice %arg7[%dma_wait3A_582, %dma_wait3A_584, %dma_wait3A_585] : memref<5x128x128xf32, #tpu.memory_space<vmem>> -> memref<1x128x128xf32, #tpu.memory_space<vmem>>
          %dma_wait3A_587 = tpu.memref_squeeze %dma_wait3A_586 : memref<1x128x128xf32, #tpu.memory_space<vmem>> -> memref<128x128xf32, #tpu.memory_space<vmem>>
          %dma_wait3A_588 = arith.constant 0 : i32
          %dma_wait3A_589 = tpu.memref_slice %arg5[%add3A_581, %dma_wait3A_588] : memref<819200x128xf32, #tpu.memory_space<hbm>> -> memref<128x128xf32, #tpu.memory_space<hbm>>
          %dma_wait3A_590 = tpu.memref_slice %arg11[%dma_wait3A_583] : memref<5x!tpu.dma_semaphore, #tpu.memory_space<semaphore_mem>> -> memref<1x!tpu.dma_semaphore, #tpu.memory_space<semaphore_mem>>
          %dma_wait3A_591 = tpu.memref_squeeze %dma_wait3A_590 : memref<1x!tpu.dma_semaphore, #tpu.memory_space<semaphore_mem>> -> memref<!tpu.dma_semaphore, #tpu.memory_space<semaphore_mem>>
          %dma_wait3A_592 = arith.constant 0 : i32
          %dma_wait3A_593 = tpu.memref_slice %arg5[%add3A_581, %dma_wait3A_592] : memref<819200x128xf32, #tpu.memory_space<hbm>> -> memref<128x128xf32, #tpu.memory_space<hbm>>
          %dma_wait3A_594 = arith.constant 0 : i32
          %dma_wait3A_595 = arith.constant 0 : i32
          %dma_wait3A_596 = tpu.memref_slice %arg7[%dma_wait3A_582, %dma_wait3A_594, %dma_wait3A_595] : memref<5x128x128xf32, #tpu.memory_space<vmem>> -> memref<1x128x128xf32, #tpu.memory_space<vmem>>
          %dma_wait3A_597 = tpu.memref_squeeze %dma_wait3A_596 : memref<1x128x128xf32, #tpu.memory_space<vmem>> -> memref<128x128xf32, #tpu.memory_space<vmem>>
          tpu.wait_dma2 semaphore(%dma_wait3A_591 : memref<!tpu.dma_semaphore, #tpu.memory_space<semaphore_mem>>) src(%dma_wait3A_597 : memref<128x128xf32, #tpu.memory_space<vmem>>) dst(%dma_wait3A_593 : memref<128x128xf32, #tpu.memory_space<hbm>>)
        } else {
        }
        %add3A_553 = arith.constant 5 : i32
        %add3A_554 = arith.addi %add3A_387, %add3A_553 : i32
        %sub3A_555 = arith.constant 1 : i32
        %sub3A_556 = arith.subi %add3A_554, %sub3A_555 : i32
        %mul3A_557 = arith.constant 128 : i32
        %mul3A_558 = arith.muli %sub3A_556, %mul3A_557 : i32
        %rem3A_559 = arith.constant 200 : i32
        %rem3A_560 = arith.remsi %mul3A_558, %rem3A_559 : i32
        %dma_start3A_561 = arith.constant 1 : i32
        %dma_start3A_562 = arith.constant 1 : i32
        %dma_start3A_563 = arith.constant 0 : i32
        %dma_start3A_564 = arith.constant 0 : i32
        %dma_start3A_565 = tpu.memref_slice %arg7[%dma_start3A_561, %dma_start3A_563, %dma_start3A_564] : memref<5x128x128xf32, #tpu.memory_space<vmem>> -> memref<1x128x128xf32, #tpu.memory_space<vmem>>
        %dma_start3A_566 = tpu.memref_squeeze %dma_start3A_565 : memref<1x128x128xf32, #tpu.memory_space<vmem>> -> memref<128x128xf32, #tpu.memory_space<vmem>>
        %dma_start3A_567 = arith.constant 0 : i32
        %dma_start3A_568 = tpu.memref_slice %arg8[%rem3A_560, %dma_start3A_567] : memref<400x128xf32, #tpu.memory_space<vmem_shared>> -> memref<128x128xf32, #tpu.memory_space<vmem_shared>>
        %dma_start3A_569 = tpu.memref_slice %arg9[%dma_start3A_562] : memref<5x!tpu.dma_semaphore, #tpu.memory_space<semaphore_mem>> -> memref<1x!tpu.dma_semaphore, #tpu.memory_space<semaphore_mem>>
        %dma_start3A_570 = tpu.memref_squeeze %dma_start3A_569 : memref<1x!tpu.dma_semaphore, #tpu.memory_space<semaphore_mem>> -> memref<!tpu.dma_semaphore, #tpu.memory_space<semaphore_mem>>
        %dma_start3A_571 = arith.constant 0 : i32
        %dma_start3A_572 = arith.constant 0 : i32
        %dma_start3A_573 = tpu.memref_slice %arg7[%dma_start3A_561, %dma_start3A_571, %dma_start3A_572] : memref<5x128x128xf32, #tpu.memory_space<vmem>> -> memref<1x128x128xf32, #tpu.memory_space<vmem>>
        %dma_start3A_574 = tpu.memref_squeeze %dma_start3A_573 : memref<1x128x128xf32, #tpu.memory_space<vmem>> -> memref<128x128xf32, #tpu.memory_space<vmem>>
        %dma_start3A_575 = arith.constant 0 : i32
        %dma_start3A_576 = tpu.memref_slice %arg8[%rem3A_560, %dma_start3A_575] : memref<400x128xf32, #tpu.memory_space<vmem_shared>> -> memref<128x128xf32, #tpu.memory_space<vmem_shared>>
        tpu.enqueue_dma source(%dma_start3A_576 : memref<128x128xf32, #tpu.memory_space<vmem_shared>>) target(%dma_start3A_574 : memref<128x128xf32, #tpu.memory_space<vmem>>) target_semaphore(%dma_start3A_570 : memref<!tpu.dma_semaphore, #tpu.memory_space<semaphore_mem>>)
      } else {
      }
      %add3A_397 = arith.constant 5 : i32
      %add3A_398 = arith.addi %add3A_387, %add3A_397 : i32
      %sub3A_399 = arith.constant 2 : i32
      %sub3A_400 = arith.subi %add3A_398, %sub3A_399 : i32
      %lt3A_401 = arith.constant 200 : i32
      %lt3A_402 = arith.cmpi slt, %sub3A_400, %lt3A_401 : i32
      %convert_element_type3A_403 = arith.extui %lt3A_402 : i1 to i32
      %cond3A_404 = arith.constant 0 : i32
      %cond3A_405 = arith.cmpi ne, %convert_element_type3A_403, %cond3A_404 : i32
      scf.if %cond3A_405 {
        %add3A_549 = arith.constant 5 : i32
        %add3A_550 = arith.addi %add3A_387, %add3A_549 : i32
        %sub3A_551 = arith.constant 2 : i32
        %sub3A_552 = arith.subi %add3A_550, %sub3A_551 : i32
        %mul3A_553 = arith.constant 128 : i32
        %mul3A_554 = arith.muli %sub3A_552, %mul3A_553 : i32
        %rem3A_555 = arith.constant 200 : i32
        %rem3A_556 = arith.remsi %mul3A_554, %rem3A_555 : i32
        %dma_wait3A_557 = arith.constant 0 : i32
        %dma_wait3A_558 = arith.constant 0 : i32
        %dma_wait3A_559 = arith.constant 0 : i32
        %dma_wait3A_560 = arith.constant 0 : i32
        %dma_wait3A_561 = tpu.memref_slice %arg7[%dma_wait3A_557, %dma_wait3A_559, %dma_wait3A_560] : memref<5x128x128xf32, #tpu.memory_space<vmem>> -> memref<1x128x128xf32, #tpu.memory_space<vmem>>
        %dma_wait3A_562 = tpu.memref_squeeze %dma_wait3A_561 : memref<1x128x128xf32, #tpu.memory_space<vmem>> -> memref<128x128xf32, #tpu.memory_space<vmem>>
        %dma_wait3A_563 = arith.constant 0 : i32
        %dma_wait3A_564 = tpu.memref_slice %arg8[%rem3A_556, %dma_wait3A_563] : memref<400x128xf32, #tpu.memory_space<vmem_shared>> -> memref<128x128xf32, #tpu.memory_space<vmem_shared>>
        %dma_wait3A_565 = tpu.memref_slice %arg9[%dma_wait3A_558] : memref<5x!tpu.dma_semaphore, #tpu.memory_space<semaphore_mem>> -> memref<1x!tpu.dma_semaphore, #tpu.memory_space<semaphore_mem>>
        %dma_wait3A_566 = tpu.memref_squeeze %dma_wait3A_565 : memref<1x!tpu.dma_semaphore, #tpu.memory_space<semaphore_mem>> -> memref<!tpu.dma_semaphore, #tpu.memory_space<semaphore_mem>>
        %dma_wait3A_567 = arith.constant 0 : i32
        %dma_wait3A_568 = arith.constant 0 : i32
        %dma_wait3A_569 = tpu.memref_slice %arg7[%dma_wait3A_557, %dma_wait3A_567, %dma_wait3A_568] : memref<5x128x128xf32, #tpu.memory_space<vmem>> -> memref<1x128x128xf32, #tpu.memory_space<vmem>>
        %dma_wait3A_570 = tpu.memref_squeeze %dma_wait3A_569 : memref<1x128x128xf32, #tpu.memory_space<vmem>> -> memref<128x128xf32, #tpu.memory_space<vmem>>
        %dma_wait3A_571 = arith.constant 0 : i32
        %dma_wait3A_572 = tpu.memref_slice %arg8[%rem3A_556, %dma_wait3A_571] : memref<400x128xf32, #tpu.memory_space<vmem_shared>> -> memref<128x128xf32, #tpu.memory_space<vmem_shared>>
        tpu.wait_dma2 semaphore(%dma_wait3A_566 : memref<!tpu.dma_semaphore, #tpu.memory_space<semaphore_mem>>) src(%dma_wait3A_572 : memref<128x128xf32, #tpu.memory_space<vmem_shared>>) dst(%dma_wait3A_570 : memref<128x128xf32, #tpu.memory_space<vmem>>)
        %add3A_573 = arith.constant 5 : i32
        %add3A_574 = arith.addi %add3A_387, %add3A_573 : i32
        %sub3A_575 = arith.constant 2 : i32
        %sub3A_576 = arith.subi %add3A_574, %sub3A_575 : i32
        %dma_start3A_577 = arith.constant 0 : i32
        %dma_start3A_578 = arith.constant 0 : i32
        %dma_start3A_579 = arith.constant 0 : i32
        %dma_start3A_580 = arith.constant 0 : i32
        %dma_start3A_581 = tpu.memref_slice %arg7[%dma_start3A_577, %dma_start3A_579, %dma_start3A_580] : memref<5x128x128xf32, #tpu.memory_space<vmem>> -> memref<1x128x128xf32, #tpu.memory_space<vmem>>
        %dma_start3A_582 = tpu.memref_squeeze %dma_start3A_581 : memref<1x128x128xf32, #tpu.memory_space<vmem>> -> memref<128x128xf32, #tpu.memory_space<vmem>>
        %dma_start3A_583 = arith.constant 0 : i32
        %dma_start3A_584 = tpu.memref_slice %arg6[%sub3A_576, %dma_start3A_583] : memref<200x128xi32, #tpu.memory_space<vmem>> -> memref<1x128xi32, #tpu.memory_space<vmem>>
        %dma_start3A_585 = tpu.memref_squeeze %dma_start3A_584 : memref<1x128xi32, #tpu.memory_space<vmem>> -> memref<128xi32, #tpu.memory_space<vmem>>
        %dma_start3A_586 = arith.constant 0 : i32
        %dma_start3A_587 = arith.constant 0 : i32
        %dma_start3A_588 = tpu.memref_slice %arg3[%dma_start3A_586, %dma_start3A_587] : memref<100000x128xf32, #tpu.memory_space<hbm>> -> memref<100000x128xf32, #tpu.memory_space<hbm>>
        %dma_start3A_589 = tpu.memref_slice %arg10[%dma_start3A_578] : memref<5x!tpu.dma_semaphore, #tpu.memory_space<semaphore_mem>> -> memref<1x!tpu.dma_semaphore, #tpu.memory_space<semaphore_mem>>
        %dma_start3A_590 = tpu.memref_squeeze %dma_start3A_589 : memref<1x!tpu.dma_semaphore, #tpu.memory_space<semaphore_mem>> -> memref<!tpu.dma_semaphore, #tpu.memory_space<semaphore_mem>>
        tpu.enqueue_indirect_dma source(%dma_start3A_588 : memref<100000x128xf32, #tpu.memory_space<hbm>>) target(%dma_start3A_582 : memref<128x128xf32, #tpu.memory_space<vmem>>) offsets(%dma_start3A_585 : memref<128xi32, #tpu.memory_space<vmem>>) semaphore(%dma_start3A_590 : memref<!tpu.dma_semaphore, #tpu.memory_space<semaphore_mem>>) {add = true}
      } else {
      }
      %dma_wait3A_406 = arith.constant 2 : i32
      %dma_wait3A_407 = arith.constant 2 : i32
      %dma_wait3A_408 = arith.constant 0 : i32
      %dma_wait3A_409 = arith.constant 0 : i32
      %dma_wait3A_410 = tpu.memref_slice %arg7[%dma_wait3A_406, %dma_wait3A_408, %dma_wait3A_409] : memref<5x128x128xf32, #tpu.memory_space<vmem>> -> memref<1x128x128xf32, #tpu.memory_space<vmem>>
      %dma_wait3A_411 = tpu.memref_squeeze %dma_wait3A_410 : memref<1x128x128xf32, #tpu.memory_space<vmem>> -> memref<128x128xf32, #tpu.memory_space<vmem>>
      %dma_wait3A_412 = arith.constant 0 : i32
      %dma_wait3A_413 = tpu.memref_slice %arg6[%add3A_387, %dma_wait3A_412] : memref<200x128xi32, #tpu.memory_space<vmem>> -> memref<1x128xi32, #tpu.memory_space<vmem>>
      %dma_wait3A_414 = tpu.memref_squeeze %dma_wait3A_413 : memref<1x128xi32, #tpu.memory_space<vmem>> -> memref<128xi32, #tpu.memory_space<vmem>>
      %dma_wait3A_415 = arith.constant 0 : i32
      %dma_wait3A_416 = arith.constant 0 : i32
      %dma_wait3A_417 = tpu.memref_slice %arg3[%dma_wait3A_415, %dma_wait3A_416] : memref<100000x128xf32, #tpu.memory_space<hbm>> -> memref<100000x128xf32, #tpu.memory_space<hbm>>
      %dma_wait3A_418 = tpu.memref_slice %arg10[%dma_wait3A_407] : memref<5x!tpu.dma_semaphore, #tpu.memory_space<semaphore_mem>> -> memref<1x!tpu.dma_semaphore, #tpu.memory_space<semaphore_mem>>
      %dma_wait3A_419 = tpu.memref_squeeze %dma_wait3A_418 : memref<1x!tpu.dma_semaphore, #tpu.memory_space<semaphore_mem>> -> memref<!tpu.dma_semaphore, #tpu.memory_space<semaphore_mem>>
      tpu.wait_indirect_dma semaphore(%dma_wait3A_419 : memref<!tpu.dma_semaphore, #tpu.memory_space<semaphore_mem>>) src(%dma_wait3A_417 : memref<100000x128xf32, #tpu.memory_space<hbm>>) dst(%dma_wait3A_411 : memref<128x128xf32, #tpu.memory_space<vmem>>)
      %mul3A_420 = arith.constant 128 : i32
      %mul3A_421 = arith.muli %add3A_387, %mul3A_420 : i32
      %add3A_422 = arith.addi %mul3A_2, %mul3A_421 : i32
      %dma_start3A_423 = arith.constant 2 : i32
      %dma_start3A_424 = arith.constant 2 : i32
      %dma_start3A_425 = arith.constant 0 : i32
      %dma_start3A_426 = arith.constant 0 : i32
      %dma_start3A_427 = tpu.memref_slice %arg7[%dma_start3A_423, %dma_start3A_425, %dma_start3A_426] : memref<5x128x128xf32, #tpu.memory_space<vmem>> -> memref<1x128x128xf32, #tpu.memory_space<vmem>>
      %dma_start3A_428 = tpu.memref_squeeze %dma_start3A_427 : memref<1x128x128xf32, #tpu.memory_space<vmem>> -> memref<128x128xf32, #tpu.memory_space<vmem>>
      %dma_start3A_429 = arith.constant 0 : i32
      %dma_start3A_430 = tpu.memref_slice %arg5[%add3A_422, %dma_start3A_429] : memref<819200x128xf32, #tpu.memory_space<hbm>> -> memref<128x128xf32, #tpu.memory_space<hbm>>
      %dma_start3A_431 = tpu.memref_slice %arg11[%dma_start3A_424] : memref<5x!tpu.dma_semaphore, #tpu.memory_space<semaphore_mem>> -> memref<1x!tpu.dma_semaphore, #tpu.memory_space<semaphore_mem>>
      %dma_start3A_432 = tpu.memref_squeeze %dma_start3A_431 : memref<1x!tpu.dma_semaphore, #tpu.memory_space<semaphore_mem>> -> memref<!tpu.dma_semaphore, #tpu.memory_space<semaphore_mem>>
      %dma_start3A_433 = arith.constant 0 : i32
      %dma_start3A_434 = tpu.memref_slice %arg5[%add3A_422, %dma_start3A_433] : memref<819200x128xf32, #tpu.memory_space<hbm>> -> memref<128x128xf32, #tpu.memory_space<hbm>>
      %dma_start3A_435 = arith.constant 0 : i32
      %dma_start3A_436 = arith.constant 0 : i32
      %dma_start3A_437 = tpu.memref_slice %arg7[%dma_start3A_423, %dma_start3A_435, %dma_start3A_436] : memref<5x128x128xf32, #tpu.memory_space<vmem>> -> memref<1x128x128xf32, #tpu.memory_space<vmem>>
      %dma_start3A_438 = tpu.memref_squeeze %dma_start3A_437 : memref<1x128x128xf32, #tpu.memory_space<vmem>> -> memref<128x128xf32, #tpu.memory_space<vmem>>
      tpu.enqueue_dma source(%dma_start3A_438 : memref<128x128xf32, #tpu.memory_space<vmem>>) target(%dma_start3A_434 : memref<128x128xf32, #tpu.memory_space<hbm>>) target_semaphore(%dma_start3A_432 : memref<!tpu.dma_semaphore, #tpu.memory_space<semaphore_mem>>)
      %mul3A_439 = arith.constant 5 : i32
      %mul3A_440 = arith.muli %scan3A_275, %mul3A_439 : i32
      %add3A_441 = arith.constant 3 : i32
      %add3A_442 = arith.addi %mul3A_440, %add3A_441 : i32
      %add3A_443 = arith.constant 5 : i32
      %add3A_444 = arith.addi %add3A_442, %add3A_443 : i32
      %sub3A_445 = arith.constant 1 : i32
      %sub3A_446 = arith.subi %add3A_444, %sub3A_445 : i32
      %lt3A_447 = arith.constant 200 : i32
      %lt3A_448 = arith.cmpi slt, %sub3A_446, %lt3A_447 : i32
      %convert_element_type3A_449 = arith.extui %lt3A_448 : i1 to i32
      %cond3A_450 = arith.constant 0 : i32
      %cond3A_451 = arith.cmpi ne, %convert_element_type3A_449, %cond3A_450 : i32
      scf.if %cond3A_451 {
        %ge3A = arith.constant 1 : i32
        %ge3A_549 = arith.cmpi sge, %add3A_442, %ge3A : i32
        %convert_element_type3A_550 = arith.extui %ge3A_549 : i1 to i32
        %cond3A_551 = arith.constant 0 : i32
        %cond3A_552 = arith.cmpi ne, %convert_element_type3A_550, %cond3A_551 : i32
        scf.if %cond3A_552 {
          %sub3A_577 = arith.constant 1 : i32
          %sub3A_578 = arith.subi %add3A_442, %sub3A_577 : i32
          %mul3A_579 = arith.constant 128 : i32
          %mul3A_580 = arith.muli %sub3A_578, %mul3A_579 : i32
          %add3A_581 = arith.addi %mul3A_2, %mul3A_580 : i32
          %dma_wait3A_582 = arith.constant 2 : i32
          %dma_wait3A_583 = arith.constant 2 : i32
          %dma_wait3A_584 = arith.constant 0 : i32
          %dma_wait3A_585 = arith.constant 0 : i32
          %dma_wait3A_586 = tpu.memref_slice %arg7[%dma_wait3A_582, %dma_wait3A_584, %dma_wait3A_585] : memref<5x128x128xf32, #tpu.memory_space<vmem>> -> memref<1x128x128xf32, #tpu.memory_space<vmem>>
          %dma_wait3A_587 = tpu.memref_squeeze %dma_wait3A_586 : memref<1x128x128xf32, #tpu.memory_space<vmem>> -> memref<128x128xf32, #tpu.memory_space<vmem>>
          %dma_wait3A_588 = arith.constant 0 : i32
          %dma_wait3A_589 = tpu.memref_slice %arg5[%add3A_581, %dma_wait3A_588] : memref<819200x128xf32, #tpu.memory_space<hbm>> -> memref<128x128xf32, #tpu.memory_space<hbm>>
          %dma_wait3A_590 = tpu.memref_slice %arg11[%dma_wait3A_583] : memref<5x!tpu.dma_semaphore, #tpu.memory_space<semaphore_mem>> -> memref<1x!tpu.dma_semaphore, #tpu.memory_space<semaphore_mem>>
          %dma_wait3A_591 = tpu.memref_squeeze %dma_wait3A_590 : memref<1x!tpu.dma_semaphore, #tpu.memory_space<semaphore_mem>> -> memref<!tpu.dma_semaphore, #tpu.memory_space<semaphore_mem>>
          %dma_wait3A_592 = arith.constant 0 : i32
          %dma_wait3A_593 = tpu.memref_slice %arg5[%add3A_581, %dma_wait3A_592] : memref<819200x128xf32, #tpu.memory_space<hbm>> -> memref<128x128xf32, #tpu.memory_space<hbm>>
          %dma_wait3A_594 = arith.constant 0 : i32
          %dma_wait3A_595 = arith.constant 0 : i32
          %dma_wait3A_596 = tpu.memref_slice %arg7[%dma_wait3A_582, %dma_wait3A_594, %dma_wait3A_595] : memref<5x128x128xf32, #tpu.memory_space<vmem>> -> memref<1x128x128xf32, #tpu.memory_space<vmem>>
          %dma_wait3A_597 = tpu.memref_squeeze %dma_wait3A_596 : memref<1x128x128xf32, #tpu.memory_space<vmem>> -> memref<128x128xf32, #tpu.memory_space<vmem>>
          tpu.wait_dma2 semaphore(%dma_wait3A_591 : memref<!tpu.dma_semaphore, #tpu.memory_space<semaphore_mem>>) src(%dma_wait3A_597 : memref<128x128xf32, #tpu.memory_space<vmem>>) dst(%dma_wait3A_593 : memref<128x128xf32, #tpu.memory_space<hbm>>)
        } else {
        }
        %add3A_553 = arith.constant 5 : i32
        %add3A_554 = arith.addi %add3A_442, %add3A_553 : i32
        %sub3A_555 = arith.constant 1 : i32
        %sub3A_556 = arith.subi %add3A_554, %sub3A_555 : i32
        %mul3A_557 = arith.constant 128 : i32
        %mul3A_558 = arith.muli %sub3A_556, %mul3A_557 : i32
        %rem3A_559 = arith.constant 200 : i32
        %rem3A_560 = arith.remsi %mul3A_558, %rem3A_559 : i32
        %dma_start3A_561 = arith.constant 2 : i32
        %dma_start3A_562 = arith.constant 2 : i32
        %dma_start3A_563 = arith.constant 0 : i32
        %dma_start3A_564 = arith.constant 0 : i32
        %dma_start3A_565 = tpu.memref_slice %arg7[%dma_start3A_561, %dma_start3A_563, %dma_start3A_564] : memref<5x128x128xf32, #tpu.memory_space<vmem>> -> memref<1x128x128xf32, #tpu.memory_space<vmem>>
        %dma_start3A_566 = tpu.memref_squeeze %dma_start3A_565 : memref<1x128x128xf32, #tpu.memory_space<vmem>> -> memref<128x128xf32, #tpu.memory_space<vmem>>
        %dma_start3A_567 = arith.constant 0 : i32
        %dma_start3A_568 = tpu.memref_slice %arg8[%rem3A_560, %dma_start3A_567] : memref<400x128xf32, #tpu.memory_space<vmem_shared>> -> memref<128x128xf32, #tpu.memory_space<vmem_shared>>
        %dma_start3A_569 = tpu.memref_slice %arg9[%dma_start3A_562] : memref<5x!tpu.dma_semaphore, #tpu.memory_space<semaphore_mem>> -> memref<1x!tpu.dma_semaphore, #tpu.memory_space<semaphore_mem>>
        %dma_start3A_570 = tpu.memref_squeeze %dma_start3A_569 : memref<1x!tpu.dma_semaphore, #tpu.memory_space<semaphore_mem>> -> memref<!tpu.dma_semaphore, #tpu.memory_space<semaphore_mem>>
        %dma_start3A_571 = arith.constant 0 : i32
        %dma_start3A_572 = arith.constant 0 : i32
        %dma_start3A_573 = tpu.memref_slice %arg7[%dma_start3A_561, %dma_start3A_571, %dma_start3A_572] : memref<5x128x128xf32, #tpu.memory_space<vmem>> -> memref<1x128x128xf32, #tpu.memory_space<vmem>>
        %dma_start3A_574 = tpu.memref_squeeze %dma_start3A_573 : memref<1x128x128xf32, #tpu.memory_space<vmem>> -> memref<128x128xf32, #tpu.memory_space<vmem>>
        %dma_start3A_575 = arith.constant 0 : i32
        %dma_start3A_576 = tpu.memref_slice %arg8[%rem3A_560, %dma_start3A_575] : memref<400x128xf32, #tpu.memory_space<vmem_shared>> -> memref<128x128xf32, #tpu.memory_space<vmem_shared>>
        tpu.enqueue_dma source(%dma_start3A_576 : memref<128x128xf32, #tpu.memory_space<vmem_shared>>) target(%dma_start3A_574 : memref<128x128xf32, #tpu.memory_space<vmem>>) target_semaphore(%dma_start3A_570 : memref<!tpu.dma_semaphore, #tpu.memory_space<semaphore_mem>>)
      } else {
      }
      %add3A_452 = arith.constant 5 : i32
      %add3A_453 = arith.addi %add3A_442, %add3A_452 : i32
      %sub3A_454 = arith.constant 2 : i32
      %sub3A_455 = arith.subi %add3A_453, %sub3A_454 : i32
      %lt3A_456 = arith.constant 200 : i32
      %lt3A_457 = arith.cmpi slt, %sub3A_455, %lt3A_456 : i32
      %convert_element_type3A_458 = arith.extui %lt3A_457 : i1 to i32
      %cond3A_459 = arith.constant 0 : i32
      %cond3A_460 = arith.cmpi ne, %convert_element_type3A_458, %cond3A_459 : i32
      scf.if %cond3A_460 {
        %add3A_549 = arith.constant 5 : i32
        %add3A_550 = arith.addi %add3A_442, %add3A_549 : i32
        %sub3A_551 = arith.constant 2 : i32
        %sub3A_552 = arith.subi %add3A_550, %sub3A_551 : i32
        %mul3A_553 = arith.constant 128 : i32
        %mul3A_554 = arith.muli %sub3A_552, %mul3A_553 : i32
        %rem3A_555 = arith.constant 200 : i32
        %rem3A_556 = arith.remsi %mul3A_554, %rem3A_555 : i32
        %dma_wait3A_557 = arith.constant 1 : i32
        %dma_wait3A_558 = arith.constant 1 : i32
        %dma_wait3A_559 = arith.constant 0 : i32
        %dma_wait3A_560 = arith.constant 0 : i32
        %dma_wait3A_561 = tpu.memref_slice %arg7[%dma_wait3A_557, %dma_wait3A_559, %dma_wait3A_560] : memref<5x128x128xf32, #tpu.memory_space<vmem>> -> memref<1x128x128xf32, #tpu.memory_space<vmem>>
        %dma_wait3A_562 = tpu.memref_squeeze %dma_wait3A_561 : memref<1x128x128xf32, #tpu.memory_space<vmem>> -> memref<128x128xf32, #tpu.memory_space<vmem>>
        %dma_wait3A_563 = arith.constant 0 : i32
        %dma_wait3A_564 = tpu.memref_slice %arg8[%rem3A_556, %dma_wait3A_563] : memref<400x128xf32, #tpu.memory_space<vmem_shared>> -> memref<128x128xf32, #tpu.memory_space<vmem_shared>>
        %dma_wait3A_565 = tpu.memref_slice %arg9[%dma_wait3A_558] : memref<5x!tpu.dma_semaphore, #tpu.memory_space<semaphore_mem>> -> memref<1x!tpu.dma_semaphore, #tpu.memory_space<semaphore_mem>>
        %dma_wait3A_566 = tpu.memref_squeeze %dma_wait3A_565 : memref<1x!tpu.dma_semaphore, #tpu.memory_space<semaphore_mem>> -> memref<!tpu.dma_semaphore, #tpu.memory_space<semaphore_mem>>
        %dma_wait3A_567 = arith.constant 0 : i32
        %dma_wait3A_568 = arith.constant 0 : i32
        %dma_wait3A_569 = tpu.memref_slice %arg7[%dma_wait3A_557, %dma_wait3A_567, %dma_wait3A_568] : memref<5x128x128xf32, #tpu.memory_space<vmem>> -> memref<1x128x128xf32, #tpu.memory_space<vmem>>
        %dma_wait3A_570 = tpu.memref_squeeze %dma_wait3A_569 : memref<1x128x128xf32, #tpu.memory_space<vmem>> -> memref<128x128xf32, #tpu.memory_space<vmem>>
        %dma_wait3A_571 = arith.constant 0 : i32
        %dma_wait3A_572 = tpu.memref_slice %arg8[%rem3A_556, %dma_wait3A_571] : memref<400x128xf32, #tpu.memory_space<vmem_shared>> -> memref<128x128xf32, #tpu.memory_space<vmem_shared>>
        tpu.wait_dma2 semaphore(%dma_wait3A_566 : memref<!tpu.dma_semaphore, #tpu.memory_space<semaphore_mem>>) src(%dma_wait3A_572 : memref<128x128xf32, #tpu.memory_space<vmem_shared>>) dst(%dma_wait3A_570 : memref<128x128xf32, #tpu.memory_space<vmem>>)
        %add3A_573 = arith.constant 5 : i32
        %add3A_574 = arith.addi %add3A_442, %add3A_573 : i32
        %sub3A_575 = arith.constant 2 : i32
        %sub3A_576 = arith.subi %add3A_574, %sub3A_575 : i32
        %dma_start3A_577 = arith.constant 1 : i32
        %dma_start3A_578 = arith.constant 1 : i32
        %dma_start3A_579 = arith.constant 0 : i32
        %dma_start3A_580 = arith.constant 0 : i32
        %dma_start3A_581 = tpu.memref_slice %arg7[%dma_start3A_577, %dma_start3A_579, %dma_start3A_580] : memref<5x128x128xf32, #tpu.memory_space<vmem>> -> memref<1x128x128xf32, #tpu.memory_space<vmem>>
        %dma_start3A_582 = tpu.memref_squeeze %dma_start3A_581 : memref<1x128x128xf32, #tpu.memory_space<vmem>> -> memref<128x128xf32, #tpu.memory_space<vmem>>
        %dma_start3A_583 = arith.constant 0 : i32
        %dma_start3A_584 = tpu.memref_slice %arg6[%sub3A_576, %dma_start3A_583] : memref<200x128xi32, #tpu.memory_space<vmem>> -> memref<1x128xi32, #tpu.memory_space<vmem>>
        %dma_start3A_585 = tpu.memref_squeeze %dma_start3A_584 : memref<1x128xi32, #tpu.memory_space<vmem>> -> memref<128xi32, #tpu.memory_space<vmem>>
        %dma_start3A_586 = arith.constant 0 : i32
        %dma_start3A_587 = arith.constant 0 : i32
        %dma_start3A_588 = tpu.memref_slice %arg3[%dma_start3A_586, %dma_start3A_587] : memref<100000x128xf32, #tpu.memory_space<hbm>> -> memref<100000x128xf32, #tpu.memory_space<hbm>>
        %dma_start3A_589 = tpu.memref_slice %arg10[%dma_start3A_578] : memref<5x!tpu.dma_semaphore, #tpu.memory_space<semaphore_mem>> -> memref<1x!tpu.dma_semaphore, #tpu.memory_space<semaphore_mem>>
        %dma_start3A_590 = tpu.memref_squeeze %dma_start3A_589 : memref<1x!tpu.dma_semaphore, #tpu.memory_space<semaphore_mem>> -> memref<!tpu.dma_semaphore, #tpu.memory_space<semaphore_mem>>
        tpu.enqueue_indirect_dma source(%dma_start3A_588 : memref<100000x128xf32, #tpu.memory_space<hbm>>) target(%dma_start3A_582 : memref<128x128xf32, #tpu.memory_space<vmem>>) offsets(%dma_start3A_585 : memref<128xi32, #tpu.memory_space<vmem>>) semaphore(%dma_start3A_590 : memref<!tpu.dma_semaphore, #tpu.memory_space<semaphore_mem>>) {add = true}
      } else {
      }
      %dma_wait3A_461 = arith.constant 3 : i32
      %dma_wait3A_462 = arith.constant 3 : i32
      %dma_wait3A_463 = arith.constant 0 : i32
      %dma_wait3A_464 = arith.constant 0 : i32
      %dma_wait3A_465 = tpu.memref_slice %arg7[%dma_wait3A_461, %dma_wait3A_463, %dma_wait3A_464] : memref<5x128x128xf32, #tpu.memory_space<vmem>> -> memref<1x128x128xf32, #tpu.memory_space<vmem>>
      %dma_wait3A_466 = tpu.memref_squeeze %dma_wait3A_465 : memref<1x128x128xf32, #tpu.memory_space<vmem>> -> memref<128x128xf32, #tpu.memory_space<vmem>>
      %dma_wait3A_467 = arith.constant 0 : i32
      %dma_wait3A_468 = tpu.memref_slice %arg6[%add3A_442, %dma_wait3A_467] : memref<200x128xi32, #tpu.memory_space<vmem>> -> memref<1x128xi32, #tpu.memory_space<vmem>>
      %dma_wait3A_469 = tpu.memref_squeeze %dma_wait3A_468 : memref<1x128xi32, #tpu.memory_space<vmem>> -> memref<128xi32, #tpu.memory_space<vmem>>
      %dma_wait3A_470 = arith.constant 0 : i32
      %dma_wait3A_471 = arith.constant 0 : i32
      %dma_wait3A_472 = tpu.memref_slice %arg3[%dma_wait3A_470, %dma_wait3A_471] : memref<100000x128xf32, #tpu.memory_space<hbm>> -> memref<100000x128xf32, #tpu.memory_space<hbm>>
      %dma_wait3A_473 = tpu.memref_slice %arg10[%dma_wait3A_462] : memref<5x!tpu.dma_semaphore, #tpu.memory_space<semaphore_mem>> -> memref<1x!tpu.dma_semaphore, #tpu.memory_space<semaphore_mem>>
      %dma_wait3A_474 = tpu.memref_squeeze %dma_wait3A_473 : memref<1x!tpu.dma_semaphore, #tpu.memory_space<semaphore_mem>> -> memref<!tpu.dma_semaphore, #tpu.memory_space<semaphore_mem>>
      tpu.wait_indirect_dma semaphore(%dma_wait3A_474 : memref<!tpu.dma_semaphore, #tpu.memory_space<semaphore_mem>>) src(%dma_wait3A_472 : memref<100000x128xf32, #tpu.memory_space<hbm>>) dst(%dma_wait3A_466 : memref<128x128xf32, #tpu.memory_space<vmem>>)
      %mul3A_475 = arith.constant 128 : i32
      %mul3A_476 = arith.muli %add3A_442, %mul3A_475 : i32
      %add3A_477 = arith.addi %mul3A_2, %mul3A_476 : i32
      %dma_start3A_478 = arith.constant 3 : i32
      %dma_start3A_479 = arith.constant 3 : i32
      %dma_start3A_480 = arith.constant 0 : i32
      %dma_start3A_481 = arith.constant 0 : i32
      %dma_start3A_482 = tpu.memref_slice %arg7[%dma_start3A_478, %dma_start3A_480, %dma_start3A_481] : memref<5x128x128xf32, #tpu.memory_space<vmem>> -> memref<1x128x128xf32, #tpu.memory_space<vmem>>
      %dma_start3A_483 = tpu.memref_squeeze %dma_start3A_482 : memref<1x128x128xf32, #tpu.memory_space<vmem>> -> memref<128x128xf32, #tpu.memory_space<vmem>>
      %dma_start3A_484 = arith.constant 0 : i32
      %dma_start3A_485 = tpu.memref_slice %arg5[%add3A_477, %dma_start3A_484] : memref<819200x128xf32, #tpu.memory_space<hbm>> -> memref<128x128xf32, #tpu.memory_space<hbm>>
      %dma_start3A_486 = tpu.memref_slice %arg11[%dma_start3A_479] : memref<5x!tpu.dma_semaphore, #tpu.memory_space<semaphore_mem>> -> memref<1x!tpu.dma_semaphore, #tpu.memory_space<semaphore_mem>>
      %dma_start3A_487 = tpu.memref_squeeze %dma_start3A_486 : memref<1x!tpu.dma_semaphore, #tpu.memory_space<semaphore_mem>> -> memref<!tpu.dma_semaphore, #tpu.memory_space<semaphore_mem>>
      %dma_start3A_488 = arith.constant 0 : i32
      %dma_start3A_489 = tpu.memref_slice %arg5[%add3A_477, %dma_start3A_488] : memref<819200x128xf32, #tpu.memory_space<hbm>> -> memref<128x128xf32, #tpu.memory_space<hbm>>
      %dma_start3A_490 = arith.constant 0 : i32
      %dma_start3A_491 = arith.constant 0 : i32
      %dma_start3A_492 = tpu.memref_slice %arg7[%dma_start3A_478, %dma_start3A_490, %dma_start3A_491] : memref<5x128x128xf32, #tpu.memory_space<vmem>> -> memref<1x128x128xf32, #tpu.memory_space<vmem>>
      %dma_start3A_493 = tpu.memref_squeeze %dma_start3A_492 : memref<1x128x128xf32, #tpu.memory_space<vmem>> -> memref<128x128xf32, #tpu.memory_space<vmem>>
      tpu.enqueue_dma source(%dma_start3A_493 : memref<128x128xf32, #tpu.memory_space<vmem>>) target(%dma_start3A_489 : memref<128x128xf32, #tpu.memory_space<hbm>>) target_semaphore(%dma_start3A_487 : memref<!tpu.dma_semaphore, #tpu.memory_space<semaphore_mem>>)
      %mul3A_494 = arith.constant 5 : i32
      %mul3A_495 = arith.muli %scan3A_275, %mul3A_494 : i32
      %add3A_496 = arith.constant 4 : i32
      %add3A_497 = arith.addi %mul3A_495, %add3A_496 : i32
      %add3A_498 = arith.constant 5 : i32
      %add3A_499 = arith.addi %add3A_497, %add3A_498 : i32
      %sub3A_500 = arith.constant 1 : i32
      %sub3A_501 = arith.subi %add3A_499, %sub3A_500 : i32
      %lt3A_502 = arith.constant 200 : i32
      %lt3A_503 = arith.cmpi slt, %sub3A_501, %lt3A_502 : i32
      %convert_element_type3A_504 = arith.extui %lt3A_503 : i1 to i32
      %cond3A_505 = arith.constant 0 : i32
      %cond3A_506 = arith.cmpi ne, %convert_element_type3A_504, %cond3A_505 : i32
      scf.if %cond3A_506 {
        %ge3A = arith.constant 1 : i32
        %ge3A_549 = arith.cmpi sge, %add3A_497, %ge3A : i32
        %convert_element_type3A_550 = arith.extui %ge3A_549 : i1 to i32
        %cond3A_551 = arith.constant 0 : i32
        %cond3A_552 = arith.cmpi ne, %convert_element_type3A_550, %cond3A_551 : i32
        scf.if %cond3A_552 {
          %sub3A_577 = arith.constant 1 : i32
          %sub3A_578 = arith.subi %add3A_497, %sub3A_577 : i32
          %mul3A_579 = arith.constant 128 : i32
          %mul3A_580 = arith.muli %sub3A_578, %mul3A_579 : i32
          %add3A_581 = arith.addi %mul3A_2, %mul3A_580 : i32
          %dma_wait3A_582 = arith.constant 3 : i32
          %dma_wait3A_583 = arith.constant 3 : i32
          %dma_wait3A_584 = arith.constant 0 : i32
          %dma_wait3A_585 = arith.constant 0 : i32
          %dma_wait3A_586 = tpu.memref_slice %arg7[%dma_wait3A_582, %dma_wait3A_584, %dma_wait3A_585] : memref<5x128x128xf32, #tpu.memory_space<vmem>> -> memref<1x128x128xf32, #tpu.memory_space<vmem>>
          %dma_wait3A_587 = tpu.memref_squeeze %dma_wait3A_586 : memref<1x128x128xf32, #tpu.memory_space<vmem>> -> memref<128x128xf32, #tpu.memory_space<vmem>>
          %dma_wait3A_588 = arith.constant 0 : i32
          %dma_wait3A_589 = tpu.memref_slice %arg5[%add3A_581, %dma_wait3A_588] : memref<819200x128xf32, #tpu.memory_space<hbm>> -> memref<128x128xf32, #tpu.memory_space<hbm>>
          %dma_wait3A_590 = tpu.memref_slice %arg11[%dma_wait3A_583] : memref<5x!tpu.dma_semaphore, #tpu.memory_space<semaphore_mem>> -> memref<1x!tpu.dma_semaphore, #tpu.memory_space<semaphore_mem>>
          %dma_wait3A_591 = tpu.memref_squeeze %dma_wait3A_590 : memref<1x!tpu.dma_semaphore, #tpu.memory_space<semaphore_mem>> -> memref<!tpu.dma_semaphore, #tpu.memory_space<semaphore_mem>>
          %dma_wait3A_592 = arith.constant 0 : i32
          %dma_wait3A_593 = tpu.memref_slice %arg5[%add3A_581, %dma_wait3A_592] : memref<819200x128xf32, #tpu.memory_space<hbm>> -> memref<128x128xf32, #tpu.memory_space<hbm>>
          %dma_wait3A_594 = arith.constant 0 : i32
          %dma_wait3A_595 = arith.constant 0 : i32
          %dma_wait3A_596 = tpu.memref_slice %arg7[%dma_wait3A_582, %dma_wait3A_594, %dma_wait3A_595] : memref<5x128x128xf32, #tpu.memory_space<vmem>> -> memref<1x128x128xf32, #tpu.memory_space<vmem>>
          %dma_wait3A_597 = tpu.memref_squeeze %dma_wait3A_596 : memref<1x128x128xf32, #tpu.memory_space<vmem>> -> memref<128x128xf32, #tpu.memory_space<vmem>>
          tpu.wait_dma2 semaphore(%dma_wait3A_591 : memref<!tpu.dma_semaphore, #tpu.memory_space<semaphore_mem>>) src(%dma_wait3A_597 : memref<128x128xf32, #tpu.memory_space<vmem>>) dst(%dma_wait3A_593 : memref<128x128xf32, #tpu.memory_space<hbm>>)
        } else {
        }
        %add3A_553 = arith.constant 5 : i32
        %add3A_554 = arith.addi %add3A_497, %add3A_553 : i32
        %sub3A_555 = arith.constant 1 : i32
        %sub3A_556 = arith.subi %add3A_554, %sub3A_555 : i32
        %mul3A_557 = arith.constant 128 : i32
        %mul3A_558 = arith.muli %sub3A_556, %mul3A_557 : i32
        %rem3A_559 = arith.constant 200 : i32
        %rem3A_560 = arith.remsi %mul3A_558, %rem3A_559 : i32
        %dma_start3A_561 = arith.constant 3 : i32
        %dma_start3A_562 = arith.constant 3 : i32
        %dma_start3A_563 = arith.constant 0 : i32
        %dma_start3A_564 = arith.constant 0 : i32
        %dma_start3A_565 = tpu.memref_slice %arg7[%dma_start3A_561, %dma_start3A_563, %dma_start3A_564] : memref<5x128x128xf32, #tpu.memory_space<vmem>> -> memref<1x128x128xf32, #tpu.memory_space<vmem>>
        %dma_start3A_566 = tpu.memref_squeeze %dma_start3A_565 : memref<1x128x128xf32, #tpu.memory_space<vmem>> -> memref<128x128xf32, #tpu.memory_space<vmem>>
        %dma_start3A_567 = arith.constant 0 : i32
        %dma_start3A_568 = tpu.memref_slice %arg8[%rem3A_560, %dma_start3A_567] : memref<400x128xf32, #tpu.memory_space<vmem_shared>> -> memref<128x128xf32, #tpu.memory_space<vmem_shared>>
        %dma_start3A_569 = tpu.memref_slice %arg9[%dma_start3A_562] : memref<5x!tpu.dma_semaphore, #tpu.memory_space<semaphore_mem>> -> memref<1x!tpu.dma_semaphore, #tpu.memory_space<semaphore_mem>>
        %dma_start3A_570 = tpu.memref_squeeze %dma_start3A_569 : memref<1x!tpu.dma_semaphore, #tpu.memory_space<semaphore_mem>> -> memref<!tpu.dma_semaphore, #tpu.memory_space<semaphore_mem>>
        %dma_start3A_571 = arith.constant 0 : i32
        %dma_start3A_572 = arith.constant 0 : i32
        %dma_start3A_573 = tpu.memref_slice %arg7[%dma_start3A_561, %dma_start3A_571, %dma_start3A_572] : memref<5x128x128xf32, #tpu.memory_space<vmem>> -> memref<1x128x128xf32, #tpu.memory_space<vmem>>
        %dma_start3A_574 = tpu.memref_squeeze %dma_start3A_573 : memref<1x128x128xf32, #tpu.memory_space<vmem>> -> memref<128x128xf32, #tpu.memory_space<vmem>>
        %dma_start3A_575 = arith.constant 0 : i32
        %dma_start3A_576 = tpu.memref_slice %arg8[%rem3A_560, %dma_start3A_575] : memref<400x128xf32, #tpu.memory_space<vmem_shared>> -> memref<128x128xf32, #tpu.memory_space<vmem_shared>>
        tpu.enqueue_dma source(%dma_start3A_576 : memref<128x128xf32, #tpu.memory_space<vmem_shared>>) target(%dma_start3A_574 : memref<128x128xf32, #tpu.memory_space<vmem>>) target_semaphore(%dma_start3A_570 : memref<!tpu.dma_semaphore, #tpu.memory_space<semaphore_mem>>)
      } else {
      }
      %add3A_507 = arith.constant 5 : i32
      %add3A_508 = arith.addi %add3A_497, %add3A_507 : i32
      %sub3A_509 = arith.constant 2 : i32
      %sub3A_510 = arith.subi %add3A_508, %sub3A_509 : i32
      %lt3A_511 = arith.constant 200 : i32
      %lt3A_512 = arith.cmpi slt, %sub3A_510, %lt3A_511 : i32
      %convert_element_type3A_513 = arith.extui %lt3A_512 : i1 to i32
      %cond3A_514 = arith.constant 0 : i32
      %cond3A_515 = arith.cmpi ne, %convert_element_type3A_513, %cond3A_514 : i32
      scf.if %cond3A_515 {
        %add3A_549 = arith.constant 5 : i32
        %add3A_550 = arith.addi %add3A_497, %add3A_549 : i32
        %sub3A_551 = arith.constant 2 : i32
        %sub3A_552 = arith.subi %add3A_550, %sub3A_551 : i32
        %mul3A_553 = arith.constant 128 : i32
        %mul3A_554 = arith.muli %sub3A_552, %mul3A_553 : i32
        %rem3A_555 = arith.constant 200 : i32
        %rem3A_556 = arith.remsi %mul3A_554, %rem3A_555 : i32
        %dma_wait3A_557 = arith.constant 2 : i32
        %dma_wait3A_558 = arith.constant 2 : i32
        %dma_wait3A_559 = arith.constant 0 : i32
        %dma_wait3A_560 = arith.constant 0 : i32
        %dma_wait3A_561 = tpu.memref_slice %arg7[%dma_wait3A_557, %dma_wait3A_559, %dma_wait3A_560] : memref<5x128x128xf32, #tpu.memory_space<vmem>> -> memref<1x128x128xf32, #tpu.memory_space<vmem>>
        %dma_wait3A_562 = tpu.memref_squeeze %dma_wait3A_561 : memref<1x128x128xf32, #tpu.memory_space<vmem>> -> memref<128x128xf32, #tpu.memory_space<vmem>>
        %dma_wait3A_563 = arith.constant 0 : i32
        %dma_wait3A_564 = tpu.memref_slice %arg8[%rem3A_556, %dma_wait3A_563] : memref<400x128xf32, #tpu.memory_space<vmem_shared>> -> memref<128x128xf32, #tpu.memory_space<vmem_shared>>
        %dma_wait3A_565 = tpu.memref_slice %arg9[%dma_wait3A_558] : memref<5x!tpu.dma_semaphore, #tpu.memory_space<semaphore_mem>> -> memref<1x!tpu.dma_semaphore, #tpu.memory_space<semaphore_mem>>
        %dma_wait3A_566 = tpu.memref_squeeze %dma_wait3A_565 : memref<1x!tpu.dma_semaphore, #tpu.memory_space<semaphore_mem>> -> memref<!tpu.dma_semaphore, #tpu.memory_space<semaphore_mem>>
        %dma_wait3A_567 = arith.constant 0 : i32
        %dma_wait3A_568 = arith.constant 0 : i32
        %dma_wait3A_569 = tpu.memref_slice %arg7[%dma_wait3A_557, %dma_wait3A_567, %dma_wait3A_568] : memref<5x128x128xf32, #tpu.memory_space<vmem>> -> memref<1x128x128xf32, #tpu.memory_space<vmem>>
        %dma_wait3A_570 = tpu.memref_squeeze %dma_wait3A_569 : memref<1x128x128xf32, #tpu.memory_space<vmem>> -> memref<128x128xf32, #tpu.memory_space<vmem>>
        %dma_wait3A_571 = arith.constant 0 : i32
        %dma_wait3A_572 = tpu.memref_slice %arg8[%rem3A_556, %dma_wait3A_571] : memref<400x128xf32, #tpu.memory_space<vmem_shared>> -> memref<128x128xf32, #tpu.memory_space<vmem_shared>>
        tpu.wait_dma2 semaphore(%dma_wait3A_566 : memref<!tpu.dma_semaphore, #tpu.memory_space<semaphore_mem>>) src(%dma_wait3A_572 : memref<128x128xf32, #tpu.memory_space<vmem_shared>>) dst(%dma_wait3A_570 : memref<128x128xf32, #tpu.memory_space<vmem>>)
        %add3A_573 = arith.constant 5 : i32
        %add3A_574 = arith.addi %add3A_497, %add3A_573 : i32
        %sub3A_575 = arith.constant 2 : i32
        %sub3A_576 = arith.subi %add3A_574, %sub3A_575 : i32
        %dma_start3A_577 = arith.constant 2 : i32
        %dma_start3A_578 = arith.constant 2 : i32
        %dma_start3A_579 = arith.constant 0 : i32
        %dma_start3A_580 = arith.constant 0 : i32
        %dma_start3A_581 = tpu.memref_slice %arg7[%dma_start3A_577, %dma_start3A_579, %dma_start3A_580] : memref<5x128x128xf32, #tpu.memory_space<vmem>> -> memref<1x128x128xf32, #tpu.memory_space<vmem>>
        %dma_start3A_582 = tpu.memref_squeeze %dma_start3A_581 : memref<1x128x128xf32, #tpu.memory_space<vmem>> -> memref<128x128xf32, #tpu.memory_space<vmem>>
        %dma_start3A_583 = arith.constant 0 : i32
        %dma_start3A_584 = tpu.memref_slice %arg6[%sub3A_576, %dma_start3A_583] : memref<200x128xi32, #tpu.memory_space<vmem>> -> memref<1x128xi32, #tpu.memory_space<vmem>>
        %dma_start3A_585 = tpu.memref_squeeze %dma_start3A_584 : memref<1x128xi32, #tpu.memory_space<vmem>> -> memref<128xi32, #tpu.memory_space<vmem>>
        %dma_start3A_586 = arith.constant 0 : i32
        %dma_start3A_587 = arith.constant 0 : i32
        %dma_start3A_588 = tpu.memref_slice %arg3[%dma_start3A_586, %dma_start3A_587] : memref<100000x128xf32, #tpu.memory_space<hbm>> -> memref<100000x128xf32, #tpu.memory_space<hbm>>
        %dma_start3A_589 = tpu.memref_slice %arg10[%dma_start3A_578] : memref<5x!tpu.dma_semaphore, #tpu.memory_space<semaphore_mem>> -> memref<1x!tpu.dma_semaphore, #tpu.memory_space<semaphore_mem>>
        %dma_start3A_590 = tpu.memref_squeeze %dma_start3A_589 : memref<1x!tpu.dma_semaphore, #tpu.memory_space<semaphore_mem>> -> memref<!tpu.dma_semaphore, #tpu.memory_space<semaphore_mem>>
        tpu.enqueue_indirect_dma source(%dma_start3A_588 : memref<100000x128xf32, #tpu.memory_space<hbm>>) target(%dma_start3A_582 : memref<128x128xf32, #tpu.memory_space<vmem>>) offsets(%dma_start3A_585 : memref<128xi32, #tpu.memory_space<vmem>>) semaphore(%dma_start3A_590 : memref<!tpu.dma_semaphore, #tpu.memory_space<semaphore_mem>>) {add = true}
      } else {
      }
      %dma_wait3A_516 = arith.constant 4 : i32
      %dma_wait3A_517 = arith.constant 4 : i32
      %dma_wait3A_518 = arith.constant 0 : i32
      %dma_wait3A_519 = arith.constant 0 : i32
      %dma_wait3A_520 = tpu.memref_slice %arg7[%dma_wait3A_516, %dma_wait3A_518, %dma_wait3A_519] : memref<5x128x128xf32, #tpu.memory_space<vmem>> -> memref<1x128x128xf32, #tpu.memory_space<vmem>>
      %dma_wait3A_521 = tpu.memref_squeeze %dma_wait3A_520 : memref<1x128x128xf32, #tpu.memory_space<vmem>> -> memref<128x128xf32, #tpu.memory_space<vmem>>
      %dma_wait3A_522 = arith.constant 0 : i32
      %dma_wait3A_523 = tpu.memref_slice %arg6[%add3A_497, %dma_wait3A_522] : memref<200x128xi32, #tpu.memory_space<vmem>> -> memref<1x128xi32, #tpu.memory_space<vmem>>
      %dma_wait3A_524 = tpu.memref_squeeze %dma_wait3A_523 : memref<1x128xi32, #tpu.memory_space<vmem>> -> memref<128xi32, #tpu.memory_space<vmem>>
      %dma_wait3A_525 = arith.constant 0 : i32
      %dma_wait3A_526 = arith.constant 0 : i32
      %dma_wait3A_527 = tpu.memref_slice %arg3[%dma_wait3A_525, %dma_wait3A_526] : memref<100000x128xf32, #tpu.memory_space<hbm>> -> memref<100000x128xf32, #tpu.memory_space<hbm>>
      %dma_wait3A_528 = tpu.memref_slice %arg10[%dma_wait3A_517] : memref<5x!tpu.dma_semaphore, #tpu.memory_space<semaphore_mem>> -> memref<1x!tpu.dma_semaphore, #tpu.memory_space<semaphore_mem>>
      %dma_wait3A_529 = tpu.memref_squeeze %dma_wait3A_528 : memref<1x!tpu.dma_semaphore, #tpu.memory_space<semaphore_mem>> -> memref<!tpu.dma_semaphore, #tpu.memory_space<semaphore_mem>>
      tpu.wait_indirect_dma semaphore(%dma_wait3A_529 : memref<!tpu.dma_semaphore, #tpu.memory_space<semaphore_mem>>) src(%dma_wait3A_527 : memref<100000x128xf32, #tpu.memory_space<hbm>>) dst(%dma_wait3A_521 : memref<128x128xf32, #tpu.memory_space<vmem>>)
      %mul3A_530 = arith.constant 128 : i32
      %mul3A_531 = arith.muli %add3A_497, %mul3A_530 : i32
      %add3A_532 = arith.addi %mul3A_2, %mul3A_531 : i32
      %dma_start3A_533 = arith.constant 4 : i32
      %dma_start3A_534 = arith.constant 4 : i32
      %dma_start3A_535 = arith.constant 0 : i32
      %dma_start3A_536 = arith.constant 0 : i32
      %dma_start3A_537 = tpu.memref_slice %arg7[%dma_start3A_533, %dma_start3A_535, %dma_start3A_536] : memref<5x128x128xf32, #tpu.memory_space<vmem>> -> memref<1x128x128xf32, #tpu.memory_space<vmem>>
      %dma_start3A_538 = tpu.memref_squeeze %dma_start3A_537 : memref<1x128x128xf32, #tpu.memory_space<vmem>> -> memref<128x128xf32, #tpu.memory_space<vmem>>
      %dma_start3A_539 = arith.constant 0 : i32
      %dma_start3A_540 = tpu.memref_slice %arg5[%add3A_532, %dma_start3A_539] : memref<819200x128xf32, #tpu.memory_space<hbm>> -> memref<128x128xf32, #tpu.memory_space<hbm>>
      %dma_start3A_541 = tpu.memref_slice %arg11[%dma_start3A_534] : memref<5x!tpu.dma_semaphore, #tpu.memory_space<semaphore_mem>> -> memref<1x!tpu.dma_semaphore, #tpu.memory_space<semaphore_mem>>
      %dma_start3A_542 = tpu.memref_squeeze %dma_start3A_541 : memref<1x!tpu.dma_semaphore, #tpu.memory_space<semaphore_mem>> -> memref<!tpu.dma_semaphore, #tpu.memory_space<semaphore_mem>>
      %dma_start3A_543 = arith.constant 0 : i32
      %dma_start3A_544 = tpu.memref_slice %arg5[%add3A_532, %dma_start3A_543] : memref<819200x128xf32, #tpu.memory_space<hbm>> -> memref<128x128xf32, #tpu.memory_space<hbm>>
      %dma_start3A_545 = arith.constant 0 : i32
      %dma_start3A_546 = arith.constant 0 : i32
      %dma_start3A_547 = tpu.memref_slice %arg7[%dma_start3A_533, %dma_start3A_545, %dma_start3A_546] : memref<5x128x128xf32, #tpu.memory_space<vmem>> -> memref<1x128x128xf32, #tpu.memory_space<vmem>>
      %dma_start3A_548 = tpu.memref_squeeze %dma_start3A_547 : memref<1x128x128xf32, #tpu.memory_space<vmem>> -> memref<128x128xf32, #tpu.memory_space<vmem>>
      tpu.enqueue_dma source(%dma_start3A_548 : memref<128x128xf32, #tpu.memory_space<vmem>>) target(%dma_start3A_544 : memref<128x128xf32, #tpu.memory_space<hbm>>) target_semaphore(%dma_start3A_542 : memref<!tpu.dma_semaphore, #tpu.memory_space<semaphore_mem>>)
    }
    %scan3A_184 = arith.constant 40 : i32
    %add3A_185 = arith.constant 24960 : i32
    %add3A_186 = arith.addi %mul3A_2, %add3A_185 : i32
    %dma_wait3A_187 = arith.constant 0 : i32
    %dma_wait3A_188 = arith.constant 0 : i32
    %dma_wait3A_189 = arith.constant 0 : i32
    %dma_wait3A_190 = arith.constant 0 : i32
    %dma_wait3A_191 = tpu.memref_slice %arg7[%dma_wait3A_187, %dma_wait3A_189, %dma_wait3A_190] : memref<5x128x128xf32, #tpu.memory_space<vmem>> -> memref<1x128x128xf32, #tpu.memory_space<vmem>>
    %dma_wait3A_192 = tpu.memref_squeeze %dma_wait3A_191 : memref<1x128x128xf32, #tpu.memory_space<vmem>> -> memref<128x128xf32, #tpu.memory_space<vmem>>
    %dma_wait3A_193 = arith.constant 0 : i32
    %dma_wait3A_194 = tpu.memref_slice %arg5[%add3A_186, %dma_wait3A_193] : memref<819200x128xf32, #tpu.memory_space<hbm>> -> memref<128x128xf32, #tpu.memory_space<hbm>>
    %dma_wait3A_195 = tpu.memref_slice %arg11[%dma_wait3A_188] : memref<5x!tpu.dma_semaphore, #tpu.memory_space<semaphore_mem>> -> memref<1x!tpu.dma_semaphore, #tpu.memory_space<semaphore_mem>>
    %dma_wait3A_196 = tpu.memref_squeeze %dma_wait3A_195 : memref<1x!tpu.dma_semaphore, #tpu.memory_space<semaphore_mem>> -> memref<!tpu.dma_semaphore, #tpu.memory_space<semaphore_mem>>
    %dma_wait3A_197 = arith.constant 0 : i32
    %dma_wait3A_198 = tpu.memref_slice %arg5[%add3A_186, %dma_wait3A_197] : memref<819200x128xf32, #tpu.memory_space<hbm>> -> memref<128x128xf32, #tpu.memory_space<hbm>>
    %dma_wait3A_199 = arith.constant 0 : i32
    %dma_wait3A_200 = arith.constant 0 : i32
    %dma_wait3A_201 = tpu.memref_slice %arg7[%dma_wait3A_187, %dma_wait3A_199, %dma_wait3A_200] : memref<5x128x128xf32, #tpu.memory_space<vmem>> -> memref<1x128x128xf32, #tpu.memory_space<vmem>>
    %dma_wait3A_202 = tpu.memref_squeeze %dma_wait3A_201 : memref<1x128x128xf32, #tpu.memory_space<vmem>> -> memref<128x128xf32, #tpu.memory_space<vmem>>
    tpu.wait_dma2 semaphore(%dma_wait3A_196 : memref<!tpu.dma_semaphore, #tpu.memory_space<semaphore_mem>>) src(%dma_wait3A_202 : memref<128x128xf32, #tpu.memory_space<vmem>>) dst(%dma_wait3A_198 : memref<128x128xf32, #tpu.memory_space<hbm>>)
    %add3A_203 = arith.constant 25088 : i32
    %add3A_204 = arith.addi %mul3A_2, %add3A_203 : i32
    %dma_wait3A_205 = arith.constant 1 : i32
    %dma_wait3A_206 = arith.constant 1 : i32
    %dma_wait3A_207 = arith.constant 0 : i32
    %dma_wait3A_208 = arith.constant 0 : i32
    %dma_wait3A_209 = tpu.memref_slice %arg7[%dma_wait3A_205, %dma_wait3A_207, %dma_wait3A_208] : memref<5x128x128xf32, #tpu.memory_space<vmem>> -> memref<1x128x128xf32, #tpu.memory_space<vmem>>
    %dma_wait3A_210 = tpu.memref_squeeze %dma_wait3A_209 : memref<1x128x128xf32, #tpu.memory_space<vmem>> -> memref<128x128xf32, #tpu.memory_space<vmem>>
    %dma_wait3A_211 = arith.constant 0 : i32
    %dma_wait3A_212 = tpu.memref_slice %arg5[%add3A_204, %dma_wait3A_211] : memref<819200x128xf32, #tpu.memory_space<hbm>> -> memref<128x128xf32, #tpu.memory_space<hbm>>
    %dma_wait3A_213 = tpu.memref_slice %arg11[%dma_wait3A_206] : memref<5x!tpu.dma_semaphore, #tpu.memory_space<semaphore_mem>> -> memref<1x!tpu.dma_semaphore, #tpu.memory_space<semaphore_mem>>
    %dma_wait3A_214 = tpu.memref_squeeze %dma_wait3A_213 : memref<1x!tpu.dma_semaphore, #tpu.memory_space<semaphore_mem>> -> memref<!tpu.dma_semaphore, #tpu.memory_space<semaphore_mem>>
    %dma_wait3A_215 = arith.constant 0 : i32
    %dma_wait3A_216 = tpu.memref_slice %arg5[%add3A_204, %dma_wait3A_215] : memref<819200x128xf32, #tpu.memory_space<hbm>> -> memref<128x128xf32, #tpu.memory_space<hbm>>
    %dma_wait3A_217 = arith.constant 0 : i32
    %dma_wait3A_218 = arith.constant 0 : i32
    %dma_wait3A_219 = tpu.memref_slice %arg7[%dma_wait3A_205, %dma_wait3A_217, %dma_wait3A_218] : memref<5x128x128xf32, #tpu.memory_space<vmem>> -> memref<1x128x128xf32, #tpu.memory_space<vmem>>
    %dma_wait3A_220 = tpu.memref_squeeze %dma_wait3A_219 : memref<1x128x128xf32, #tpu.memory_space<vmem>> -> memref<128x128xf32, #tpu.memory_space<vmem>>
    tpu.wait_dma2 semaphore(%dma_wait3A_214 : memref<!tpu.dma_semaphore, #tpu.memory_space<semaphore_mem>>) src(%dma_wait3A_220 : memref<128x128xf32, #tpu.memory_space<vmem>>) dst(%dma_wait3A_216 : memref<128x128xf32, #tpu.memory_space<hbm>>)
    %add3A_221 = arith.constant 25216 : i32
    %add3A_222 = arith.addi %mul3A_2, %add3A_221 : i32
    %dma_wait3A_223 = arith.constant 2 : i32
    %dma_wait3A_224 = arith.constant 2 : i32
    %dma_wait3A_225 = arith.constant 0 : i32
    %dma_wait3A_226 = arith.constant 0 : i32
    %dma_wait3A_227 = tpu.memref_slice %arg7[%dma_wait3A_223, %dma_wait3A_225, %dma_wait3A_226] : memref<5x128x128xf32, #tpu.memory_space<vmem>> -> memref<1x128x128xf32, #tpu.memory_space<vmem>>
    %dma_wait3A_228 = tpu.memref_squeeze %dma_wait3A_227 : memref<1x128x128xf32, #tpu.memory_space<vmem>> -> memref<128x128xf32, #tpu.memory_space<vmem>>
    %dma_wait3A_229 = arith.constant 0 : i32
    %dma_wait3A_230 = tpu.memref_slice %arg5[%add3A_222, %dma_wait3A_229] : memref<819200x128xf32, #tpu.memory_space<hbm>> -> memref<128x128xf32, #tpu.memory_space<hbm>>
    %dma_wait3A_231 = tpu.memref_slice %arg11[%dma_wait3A_224] : memref<5x!tpu.dma_semaphore, #tpu.memory_space<semaphore_mem>> -> memref<1x!tpu.dma_semaphore, #tpu.memory_space<semaphore_mem>>
    %dma_wait3A_232 = tpu.memref_squeeze %dma_wait3A_231 : memref<1x!tpu.dma_semaphore, #tpu.memory_space<semaphore_mem>> -> memref<!tpu.dma_semaphore, #tpu.memory_space<semaphore_mem>>
    %dma_wait3A_233 = arith.constant 0 : i32
    %dma_wait3A_234 = tpu.memref_slice %arg5[%add3A_222, %dma_wait3A_233] : memref<819200x128xf32, #tpu.memory_space<hbm>> -> memref<128x128xf32, #tpu.memory_space<hbm>>
    %dma_wait3A_235 = arith.constant 0 : i32
    %dma_wait3A_236 = arith.constant 0 : i32
    %dma_wait3A_237 = tpu.memref_slice %arg7[%dma_wait3A_223, %dma_wait3A_235, %dma_wait3A_236] : memref<5x128x128xf32, #tpu.memory_space<vmem>> -> memref<1x128x128xf32, #tpu.memory_space<vmem>>
    %dma_wait3A_238 = tpu.memref_squeeze %dma_wait3A_237 : memref<1x128x128xf32, #tpu.memory_space<vmem>> -> memref<128x128xf32, #tpu.memory_space<vmem>>
    tpu.wait_dma2 semaphore(%dma_wait3A_232 : memref<!tpu.dma_semaphore, #tpu.memory_space<semaphore_mem>>) src(%dma_wait3A_238 : memref<128x128xf32, #tpu.memory_space<vmem>>) dst(%dma_wait3A_234 : memref<128x128xf32, #tpu.memory_space<hbm>>)
    %add3A_239 = arith.constant 25344 : i32
    %add3A_240 = arith.addi %mul3A_2, %add3A_239 : i32
    %dma_wait3A_241 = arith.constant 3 : i32
    %dma_wait3A_242 = arith.constant 3 : i32
    %dma_wait3A_243 = arith.constant 0 : i32
    %dma_wait3A_244 = arith.constant 0 : i32
    %dma_wait3A_245 = tpu.memref_slice %arg7[%dma_wait3A_241, %dma_wait3A_243, %dma_wait3A_244] : memref<5x128x128xf32, #tpu.memory_space<vmem>> -> memref<1x128x128xf32, #tpu.memory_space<vmem>>
    %dma_wait3A_246 = tpu.memref_squeeze %dma_wait3A_245 : memref<1x128x128xf32, #tpu.memory_space<vmem>> -> memref<128x128xf32, #tpu.memory_space<vmem>>
    %dma_wait3A_247 = arith.constant 0 : i32
    %dma_wait3A_248 = tpu.memref_slice %arg5[%add3A_240, %dma_wait3A_247] : memref<819200x128xf32, #tpu.memory_space<hbm>> -> memref<128x128xf32, #tpu.memory_space<hbm>>
    %dma_wait3A_249 = tpu.memref_slice %arg11[%dma_wait3A_242] : memref<5x!tpu.dma_semaphore, #tpu.memory_space<semaphore_mem>> -> memref<1x!tpu.dma_semaphore, #tpu.memory_space<semaphore_mem>>
    %dma_wait3A_250 = tpu.memref_squeeze %dma_wait3A_249 : memref<1x!tpu.dma_semaphore, #tpu.memory_space<semaphore_mem>> -> memref<!tpu.dma_semaphore, #tpu.memory_space<semaphore_mem>>
    %dma_wait3A_251 = arith.constant 0 : i32
    %dma_wait3A_252 = tpu.memref_slice %arg5[%add3A_240, %dma_wait3A_251] : memref<819200x128xf32, #tpu.memory_space<hbm>> -> memref<128x128xf32, #tpu.memory_space<hbm>>
    %dma_wait3A_253 = arith.constant 0 : i32
    %dma_wait3A_254 = arith.constant 0 : i32
    %dma_wait3A_255 = tpu.memref_slice %arg7[%dma_wait3A_241, %dma_wait3A_253, %dma_wait3A_254] : memref<5x128x128xf32, #tpu.memory_space<vmem>> -> memref<1x128x128xf32, #tpu.memory_space<vmem>>
    %dma_wait3A_256 = tpu.memref_squeeze %dma_wait3A_255 : memref<1x128x128xf32, #tpu.memory_space<vmem>> -> memref<128x128xf32, #tpu.memory_space<vmem>>
    tpu.wait_dma2 semaphore(%dma_wait3A_250 : memref<!tpu.dma_semaphore, #tpu.memory_space<semaphore_mem>>) src(%dma_wait3A_256 : memref<128x128xf32, #tpu.memory_space<vmem>>) dst(%dma_wait3A_252 : memref<128x128xf32, #tpu.memory_space<hbm>>)
    %add3A_257 = arith.constant 25472 : i32
    %add3A_258 = arith.addi %mul3A_2, %add3A_257 : i32
    %dma_wait3A_259 = arith.constant 4 : i32
    %dma_wait3A_260 = arith.constant 4 : i32
    %dma_wait3A_261 = arith.constant 0 : i32
    %dma_wait3A_262 = arith.constant 0 : i32
    %dma_wait3A_263 = tpu.memref_slice %arg7[%dma_wait3A_259, %dma_wait3A_261, %dma_wait3A_262] : memref<5x128x128xf32, #tpu.memory_space<vmem>> -> memref<1x128x128xf32, #tpu.memory_space<vmem>>
    %dma_wait3A_264 = tpu.memref_squeeze %dma_wait3A_263 : memref<1x128x128xf32, #tpu.memory_space<vmem>> -> memref<128x128xf32, #tpu.memory_space<vmem>>
    %dma_wait3A_265 = arith.constant 0 : i32
    %dma_wait3A_266 = tpu.memref_slice %arg5[%add3A_258, %dma_wait3A_265] : memref<819200x128xf32, #tpu.memory_space<hbm>> -> memref<128x128xf32, #tpu.memory_space<hbm>>
    %dma_wait3A_267 = tpu.memref_slice %arg11[%dma_wait3A_260] : memref<5x!tpu.dma_semaphore, #tpu.memory_space<semaphore_mem>> -> memref<1x!tpu.dma_semaphore, #tpu.memory_space<semaphore_mem>>
    %dma_wait3A_268 = tpu.memref_squeeze %dma_wait3A_267 : memref<1x!tpu.dma_semaphore, #tpu.memory_space<semaphore_mem>> -> memref<!tpu.dma_semaphore, #tpu.memory_space<semaphore_mem>>
    %dma_wait3A_269 = arith.constant 0 : i32
    %dma_wait3A_270 = tpu.memref_slice %arg5[%add3A_258, %dma_wait3A_269] : memref<819200x128xf32, #tpu.memory_space<hbm>> -> memref<128x128xf32, #tpu.memory_space<hbm>>
    %dma_wait3A_271 = arith.constant 0 : i32
    %dma_wait3A_272 = arith.constant 0 : i32
    %dma_wait3A_273 = tpu.memref_slice %arg7[%dma_wait3A_259, %dma_wait3A_271, %dma_wait3A_272] : memref<5x128x128xf32, #tpu.memory_space<vmem>> -> memref<1x128x128xf32, #tpu.memory_space<vmem>>
    %dma_wait3A_274 = tpu.memref_squeeze %dma_wait3A_273 : memref<1x128x128xf32, #tpu.memory_space<vmem>> -> memref<128x128xf32, #tpu.memory_space<vmem>>
    tpu.wait_dma2 semaphore(%dma_wait3A_268 : memref<!tpu.dma_semaphore, #tpu.memory_space<semaphore_mem>>) src(%dma_wait3A_274 : memref<128x128xf32, #tpu.memory_space<vmem>>) dst(%dma_wait3A_270 : memref<128x128xf32, #tpu.memory_space<hbm>>)
    return
  }
}

</mosaic_0001>

<sc_bundles>
// kernel: kernel.3.cloned.1.call-start
scs
__scs_entry_jumppad:
0x0: {  	(pc) =	sbr.rel $0x88, $3  }
0x1: {  	(tag) =	ssettag $0x0;
	lr =	simm.s32 $0x1  }
0x2: {  	[smem:$0x3F9E] =	sst lr;
	_ =	strace $0xD0000000  }
0x3: {  	_ = 	snop  }
0x4: {  	_ = 	snop  }
0x5: {  	_ = 	snop  }
0x6: {  	_ = 	snop  }
0x7: {  	_ = 	snop  }
__scs_overlays_trampoline_lowered:
0x8: {  	[smem:$0x3FAD] =	sst s0  }
0x9: {  	[smem:$0x3FAE] =	sst s1  }
0xa: {  	[smem:$0x3FAF] =	sst s2  }
0xb: {  	[smem:$0x3FB0] =	sst s3  }
0xc: {  	[smem:$0x3FB1] =	sst s4  }
0xd: {  	[smem:$0x3FB2] =	sst s5  }
0xe: {  	[smem:$0x3FB3] =	sst s6  }
0xf: {  	[smem:$0x3FB4] =	sst s7  }
0x10: {  	[smem:$0x3FB5] =	sst s8  }
0x11: {  	[smem:$0x3FB6] =	sst s9;
	s0 =	simm.s32 @!p0 $0x0  }
0x12: {  	s1 =	sld [smem:$0x3F9C];
	s0 =	simm.s32 @p0 $0x1  }
0x13: {  	[smem:$0x3FB7] =	sst s0;
	s0 =	simm.s32 @!p1 $0x0  }
0x14: {  	s2 =	sld [smem:$0x3F9B];
	s0 =	simm.s32 @p1 $0x1  }
0x15: {  	[smem:$0x3FB8] =	sst s0;
	s0 =	simm.s32 @!p2 $0x0  }
0x16: {  	s3 =	sld [smem:$0x3FDB];
	s0 =	simm.s32 @p2 $0x1  }
0x17: {  	s4 =	simm.s32 $0x1BF5;
	[smem:$0x3FBA] =	sst s0  }
0x18: {  	s0 =	sld [smem:$0x3F9D];
	_ =	swait.ge [sflag:s4], $0x0  }
0x19: {  	s7 =	sld [smem:$0x3F9E]  }
0x1a: {  	s8 =	sadd.s32 $0xFFFFE003, lr  }
0x1b: {  	s9 =	sadd.s32 $0xFFFFFEF7, lr;
	s5 =	simm.s32 $0xFFFFFFFF;
	p2 =	slt.u32 s8, $0xFFFFF086  }
0x1c: {  	p1 =	slt.u32 s9, $0xF7A;
	s5 =	simm.s32 @!p2 $0x0  }
0x1d: {  	s5 =	simm.s32 @p1 $0x1;
	p0 =	seq.s32 s7, s2  }
0x1e: {  	s7 =	smul.u32 @!p0 $0xF7A, s2;
	p2 =	seq.s32 @!p0 s5, $0x0  }
0x1f: {  	s9 =	smul.u32 $0xF7A, s1;
	s8 =	simm.s32 @!p0 $0x1BF5;
	p2 =	por !p2, p0  }
0x20: {  	[sflag:s8] =	ssyncset.s32 @!p0 $0xFFFFF086;
	s6 =	sadd.s32 @!p0 s3, s7;
	s7 =	simm.s32 @!p0 $0x108  }
0x21: {  	s3 =	sadd.s32 s3, s9;
	s6 =	sadd.s32 @!p0 $0x88, s6;
	s7 =	simm.s32 @p2 $0x1082  }
0x22: {  	[simem:s7], [sflag:s8] =	dma.local @!p0 [hbm:s6], $0xF7A  }
0x23: {  	s9 =	sor.u32 $0xD0000000, s2;
	s6 =	simm.s32 $0x108;
	_ =	swait.ge @!p0 [sflag:s8], $0x0  }
0x24: {  	s3 =	sadd.s32 $0x88, s3;
	s6 =	simm.s32 @!p1 $0x1082;
	[sflag:s4] =	ssyncset.s32 $0xFFFFF086  }
0x25: {  	[simem:s6], [sflag:s4] =	dma.local [hbm:s3], $0xF7A  }
0x26: {  	[smem:$0x3F9E] =	sst s1;
	(tag) =	ssettag s2;
	_ =	strace s9  }
0x27: {  	s1 =	sld [smem:$0x3FAE]  }
0x28: {  	s2 =	sld [smem:$0x3FAF]  }
0x29: {  	s4 =	sld [smem:$0x3FB1]  }
0x2a: {  	p0 =	seq.s32 s5, $0x0;
	s5 =	sld [smem:$0x3FB2]  }
0x2b: {  	s6 =	sld [smem:$0x3FB3]  }
0x2c: {  	s7 =	sld [smem:$0x3FB4]  }
0x2d: {  	s3 =	simm.s32 $0x108;
	s8 =	sld [smem:$0x3FB5]  }
0x2e: {  	s3 =	simm.s32 @!p0 $0x1082;
	s9 =	sld [smem:$0x3FB6]  }
0x2f: {  	lr =	sadd.s32 s0, s3;
	s0 =	sld [smem:$0x3FAD]  }
0x30: {  	s3 =	sld [smem:$0x3FB0]  }
0x31: {  	[smem:$0x3FB9] =	sst s10  }
0x32: {  	s10 =	sld [smem:$0x3FB7];
	_ =	sdelay $0x3  }
0x33: {  	p0 =	seq.s32 s10, $0x1;
	s10 =	sld [smem:$0x3FB9];
	_ =	sdelay $0x3  }
0x34: {  	[smem:$0x3FB9] =	sst s10  }
0x35: {  	s10 =	sld [smem:$0x3FB8];
	_ =	sdelay $0x3  }
0x36: {  	p1 =	seq.s32 s10, $0x1;
	s10 =	sld [smem:$0x3FB9];
	_ =	sdelay $0x3  }
0x37: {  	[smem:$0x3FB9] =	sst s10  }
0x38: {  	s10 =	sld [smem:$0x3FBA]  }
0x39: {  	_ = 	snop;
	(pc) =	sbr.ind lr, $3  }
0x3a: {  	_ = 	snop  }
0x3b: {  	_ = 	snop  }
0x3c: {  	p2 =	seq.s32 s10, $0x1;
	s10 =	sld [smem:$0x3FB9]  }
0x3d: {  	_ =	shalt  }
0x3e: {  	_ =	shalt  }
0x3f: {  	_ =	shalt  }
0x40: {  	_ =	shalt  }
0x41: {  	_ =	shalt  }
0x42: {  	_ =	shalt  }
0x43: {  	_ =	shalt  }
0x44: {  	_ =	shalt  }
0x45: {  	_ =	shalt  }
0x46: {  	_ =	shalt  }
0x47: {  	_ =	shalt  }
0x48: {  	_ =	shalt  }
0x49: {  	_ =	shalt  }
0x4a: {  	_ =	shalt  }
0x4b: {  	_ =	shalt  }
0x4c: {  	_ =	shalt  }
0x4d: {  	_ =	shalt  }
0x4e: {  	_ =	shalt  }
0x4f: {  	_ =	shalt  }
0x50: {  	_ =	shalt  }
0x51: {  	_ =	shalt  }
0x52: {  	_ =	shalt  }
0x53: {  	_ =	shalt  }
0x54: {  	_ =	shalt  }
0x55: {  	_ =	shalt  }
0x56: {  	_ =	shalt  }
0x57: {  	_ =	shalt  }
0x58: {  	_ =	shalt  }
0x59: {  	_ =	shalt  }
0x5a: {  	_ =	shalt  }
0x5b: {  	_ =	shalt  }
0x5c: {  	_ =	shalt  }
0x5d: {  	_ =	shalt  }
0x5e: {  	_ =	shalt  }
0x5f: {  	_ =	shalt  }
0x60: {  	_ =	shalt  }
0x61: {  	_ =	shalt  }
0x62: {  	_ =	shalt  }
0x63: {  	_ =	shalt  }
0x64: {  	_ =	shalt  }
0x65: {  	_ =	shalt  }
0x66: {  	_ =	shalt  }
0x67: {  	_ =	shalt  }
0x68: {  	_ =	shalt  }
0x69: {  	_ =	shalt  }
0x6a: {  	_ =	shalt  }
0x6b: {  	_ =	shalt  }
0x6c: {  	_ =	shalt  }
0x6d: {  	_ =	shalt  }
0x6e: {  	_ =	shalt  }
0x6f: {  	_ =	shalt  }
0x70: {  	_ =	shalt  }
0x71: {  	_ =	shalt  }
0x72: {  	_ =	shalt  }
0x73: {  	_ =	shalt  }
0x74: {  	_ =	shalt  }
0x75: {  	_ =	shalt  }
0x76: {  	_ =	shalt  }
0x77: {  	_ =	shalt  }
0x78: {  	_ =	shalt  }
0x79: {  	_ =	shalt  }
0x7a: {  	_ =	shalt  }
0x7b: {  	_ =	shalt  }
0x7c: {  	_ =	shalt  }
0x7d: {  	_ =	shalt  }
0x7e: {  	_ =	shalt  }
0x7f: {  	_ =	shalt  }
0x80: {  	_ =	shalt  }
0x81: {  	_ =	shalt  }
0x82: {  	_ =	shalt  }
0x83: {  	_ =	shalt  }
0x84: {  	_ =	shalt  }
0x85: {  	_ =	shalt  }
0x86: {  	_ =	shalt  }
0x87: {  	_ =	shalt  }
.Lfunc_end0:
.L_simem_size_0:
called_computation_lowered:
.L_overlay_start_0:
0x88: {  	s2 =	sld [smem:$0x3FD9]  }
0x89: {  	s3 =	sld [smem:$0x3FFE];
	_ =	sdelay $0x1  }
0x8a: {  	s1 =	srdreg.scid  }
0x8b: {  	s0 =	sand.u32 $0x1, s1  }
0x8c: {  	s17 =	sshll.u32 s0, $0xA;
	s2 =	sadd.s32 s3, s2  }
0x8d: {  	s2 =	sadd.s32 s2, s17  }
0x8e: {  	[smem:$0x3FC5] =	sst s2  }
0x8f: {  	_ = 	snop  }
0x90: {  	s2 =	sld [smem:$0x3FC8]  }
0x91: {  	s18 =	sld [smem:$0x3FD0];
	(tm) =	ssettm $0x1  }
0x92: {  	s4 =	sld [smem:$0x3FFB];
	_ =	sdelay $0x3  }
0x93: {  	_ =	strace s4  }
0x94: {  	s4 =	sld [smem:$0x3FFC];
	_ =	sdelay $0x3  }
0x95: {  	_ =	strace s4  }
0x96: {  	s4 =	sld [smem:$0x3FFD];
	_ =	sdelay $0x3  }
0x97: {  	_ =	strace s4  }
0x98: {  	_ =	strace $0x8FFFFFFF  }
0x99: {  	s19 =	sld [smem:$0x3FDB];
	_ =	sdelay $0x1  }
0x9a: {  	s5 =	simm.s32 $_scs_section_size  }
0x9b: {  	s6 =	simm.s32 $_size__tile_overlayer_lowered;
	s7 =	simm.s32 $_tile_overlayer_lowered  }
0x9c: {  	s22 =	simm.s32 $0x1BFF;
	s21 =	sshll.u32 s7, $0x1;
	s4 =	sadd.s32 s5, s19  }
0x9d: {  	s8 =	simm.s32 $0x0;
	s20 =	sshll.u32 s6, $0x1;
	s6 =	sadd.s32 s21, s4  }
0x9e: {  	[timem:s8], [sflag:s22] =	dma.local [hbm:s6], s20  }
0x9f: {  	_ =	swait.ge [sflag:s22], s20  }
0xa0: {  	s5 =	ssub.s32 $0x0, s20;
	[sflag:s22] =	ssyncset.done $0x0  }
0xa1: {  	[sflag:s22] =	ssyncadd.s32 s5;
	_ =	sdelay $0x1  }
0xa2: {  	s23 =	simm.s32 $0x1B8B  }
0xa3: {  	_ =	swait.ge [sflag:s23], $0x1  }
0xa4: {  	[sflag:s23] =	ssyncset.done $0x0  }
0xa5: {  	s25 =	simm.s32 $0x1B8E;
	s24 =	sld [smem:$0x3FFE];
	[sflag:s23] =	ssyncadd.s32 $0xFFFFFFFF  }
0xa6: {  	s26 =	simm.s32 $execute0_lowered;
	[smem:$0x3FD2] =	sst s25  }
0xa7: {  	s6 =	sshll.u32 s26, $0x1;
	_ =	strace $0x80000046;
	[dreg:$0x1] =	wrdreg $0xFFFFFFFF  }
0xa8: {  	s28 =	simm.s32 $_size_execute0_lowered;
	s4 =	sadd.s32 s4, s6;
	[dreg:$0x0] =	wrdreg $0x0  }
0xa9: {  	s6 =	sshll.u32 s28, $0x1;
	[dreg:$0x2] =	wrdreg s4  }
0xaa: {  	[dreg:$0x3] =	wrdreg s6  }
0xab: {  	[dreg:$0x4] =	wrdreg $0xC0  }
0xac: {  	_ =	task [dreg:s8], $0x5FFFF  }
0xad: {  	[dreg:$0x1] =	wrdreg $0xFFFFFFFF  }
0xae: {  	[dreg:$0x0] =	wrdreg $0x60  }
0xaf: {  	[dreg:$0x2] =	wrdreg s24  }
0xb0: {  	[dreg:$0x3] =	wrdreg s2  }
0xb1: {  	[dreg:$0x4] =	wrdreg s18  }
0xb2: {  	[dreg:$0x5] =	wrdreg $0x1A4000  }
0xb3: {  	[dreg:$0x6] =	wrdreg $0x9  }
0xb4: {  	_ =	task.clear_ibuf [dreg:s8], $0x7FFFF;
	_ =	strace $0x90000046  }
0xb5: {  	s29 =	simm.s32 $0x9;
	_ =	strace $0x80000048  }
0xb6: {  	_ =	swait.ge [sflag:s29], $0x1  }
0xb7: {  	[sflag:s29] =	ssyncadd.s32 $0xFFFFFFFF  }
0xb8: {  	_ =	strace $0x90000048  }
0xb9: {  	_ =	sfence  }
0xba: {  	s30 =	sld [smem:$0x0];
	_ =	sdelay $0x2  }
0xbb: {  	s31 =	sshll.u32 s1, $0xD;
	s1 =	sshrl.u32 s1, $0x2  }
0xbc: {  	s3 =	sand.u32 $0x4000, s31;
	s1 =	sadd.s32 s1, s30  }
0xbd: {  	s0 =	sor.u32 s3, s0;
	s1 =	sshll.u32 s1, $0x11  }
0xbe: {  	s0 =	sor.u32 s1, s0  }
0xbf: {  	s0 =	sadd.s32 $0x8F2B, s0  }
0xc0: {  	[sflag:s0] =	ssyncadd.remote.s32 $0x1  }
0xc1: {  	_ =	sfence.sel $0xFFFF  }
0xc2: {  	[dreg:$0x0] =	wrdreg $0xFFFFFFFF;
	(pc) =	sbr.abs _section_cstart, $3  }
0xc3: {  	[dreg:$0x1] =	wrdreg $0xFFFFFFFF  }
0xc4: {  	_ =	task.clear_ibuf [dreg:s8], $0x2FFFF;
	_ =	strace $0x9FFFFFFF  }
0xc5: {  	(tm) =	ssettm $0x7FFFFFFF  }
tec
execute0_lowered:
.L_overlay_start_1:
0x0: {  	(tag) =	ssettag $0x1  }
0x1: {  	s1 =	rddreg [dreg:$0x0]  }
0x2: {  	s0 =	rddreg [dreg:$0x1]  }
0x3: {  	s4 =	rddreg [dreg:$0x2]  }
0x4: {  	s3 =	srdreg.scid;
	s5 =	stileid.u32  }
0x5: {  	s2 =	rddreg [dreg:$0x3];
	s15 =	simm.s32 $0x12400;
	s28 =	simm.s32 $0x9  }
0x6: {  	s29 =	simm.s32 $0xA;
	s14 =	simm.s32 $0xE400;
	s6 =	sand.u32 $0x1, s3  }
0x7: {  	s7 =	sshll.u32 s5, $0x1;
	s3 =	simm.s32 $0x0;
	s9 =	smul.u32 $0xC8000, s5  }
0x8: {  	s11 =	smul.u32 $0x640000, s5;
	s19 =	sadd.s32 $0x4000, s2;
	s20 =	sadd.s32 $0x1C00, s2  }
0x9: {  	s22 =	sadd.s32 $0x5C00, s2;
	p0 =	sne.s32 s5, $0x0;
	s7 =	sor.u32 s6, s7  }
0xa: {  	[smem:$0x7FF] =	sst s3;
	s8 =	ssub.s32 $0x2, s6;
	s18 =	smul.u32 $0x320000, s6  }
0xb: {  	s6 =	smul.u32 $0x64000, s6;
	_ =	strace $0x80000047;
	[dreg:$0xb] =	wrdreg s19  }
0xc: {  	s5 =	simm.s32 $0x0;
	s7 =	smul.u32 $0x6400, s7;
	[dreg:$0xc] =	wrdreg s20  }
0xd: {  	s10 =	sshrl.u32 s8, $0x1;
	s21 =	sadd.s32 s9, s4;
	[dreg:$0xd] =	wrdreg s22  }
0xe: {  	s22 =	simm.s32 $0x4;
	s17 =	ssub.s32 s8, s10;
	s8 =	sadd.s32 s18, s11  }
0xf: {  	s6 =	sadd.s32 s6, s21;
	s21 =	simm.s32 $0x16400;
	s7 =	sshrl.u32 s7, $0x3  }
0x10: {  	s23 =	sor.u32 $0xC000, s8;
	[dreg:$0x5] =	wrdreg s6;
	s25 =	sor.u32 $0x10000, s8  }
0x11: {  	s8 =	sor.u32 $0x8000, s8;
	s7 =	sadd.s32 s7, s1;
	s1 =	sadd.s32 $0x400, s1  }
0x12: {  	s24 =	sshrl.u32 s23, $0x3;
	[dreg:$0x9] =	wrdreg s1;
	s7 =	sadd.s32 $0x1E00, s7  }
0x13: {  	s30 =	sshrl.u32 s8, $0x3;
	s6 =	sadd.s32 s24, s4;
	[dreg:$0xa] =	wrdreg s7  }
0x14: {  	s23 =	simm.s32 $0x6;
	s1 =	smax.u32 s17, $0x1;
	[dreg:$0x6] =	wrdreg s6  }
0x15: {  	s31 =	sadd.s32 s30, s4;
	s17 =	simm.s32 $0x80;
	[dreg:$0xe] =	wrdreg s1  }
0x16: {  	s7 =	sshrl.u32 s25, $0x3;
	[dreg:$0x8] =	wrdreg s31;
	s1 =	sshrl.u32 @!p0 s2, $0x3  }
0x17: {  	s24 =	simm.s32 $0x5;
	s26 =	sadd.s32 s7, s4;
	[dreg:$0xf] =	wrdreg s1  }
0x18: {  	s25 =	simm.s32 $0x7;
	[dreg:$0x7] =	wrdreg s26;
	s26 =	simm.s32 $0x8  }
.LBB2_1:
0x19: {  	[dreg:$0x10] =	wrdreg s5  }
0x1a: {  	s1 =	rddreg [dreg:$0xa];
	s7 =	simm.s32 $0x10  }
0x1b: {  	[tilespmem:s3], [sflag:$0x10] =	stream.linear.gather [hbm4b:s1+s3], $0x6400, $0x38;
	[tilespmem:$0x1B080] =	vst v63  }
0x1c: {  	_ =	swait.ge [sflag:s7], $0x6400  }
0x1d: {  	[sflag:s7] =	ssyncset.done $0x0;
	s4 =	rddreg [dreg:$0x9]  }
0x1e: {  	s1 =	simm.s32 @!p0 $0x1C10;
	s5 =	rddreg [dreg:$0xf];
	[sflag:s7] =	ssyncadd.s32 $0xFFFF9C00  }
0x1f: {  	[spmem:s5], [sflag:s1] =	dma.local @!p0 [hbm:s4], $0x1900  }
0x20: {  	s1 =	simm.s32 @!p0 $0x10  }
0x21: {  	_ =	swait.ge @!p0 [sflag:s1], $0x1900  }
0x22: {  	[sflag:s1] =	ssyncset.done @!p0 $0x0  }
0x23: {  	[sflag:s1] =	ssyncadd.s32 @!p0 $0xFFFFE700  }
0x24: {  	s8 =	simm.s32 $0x6400;
	[bflag:$0x0] =	sbarrier.arrive $0xFFFF  }
0x25: {  	[tilespmem:s8], [sflag:$0x1] =	stream.linear.gather [spmem:s2], $0x4000, $0x38;
	[tilespmem:$0x1B080] =	vst v63  }
0x26: {  	s9 =	simm.s32 $0xA400;
	s10 =	rddreg [dreg:$0xb]  }
0x27: {  	[tilespmem:s9], [sflag:$0x2] =	stream.linear.gather [spmem:s10], $0x4000, $0x38;
	[tilespmem:$0x1B080] =	vst v63  }
0x28: {  	s11 =	rddreg [dreg:$0xc];
	s10 =	simm.s32 $0xE400  }
0x29: {  	[tilespmem:s10], [sflag:$0x3] =	stream.linear.gather [spmem:s11], $0x4000, $0x38;
	[tilespmem:$0x1B080] =	vst v63  }
0x2a: {  	s13 =	simm.s32 $0x1;
	s12 =	rddreg [dreg:$0xd]  }
0x2b: {  	[tilespmem:s15], [sflag:$0x4] =	stream.linear.gather [spmem:s12], $0x4000, $0x38;
	[tilespmem:$0x1B080] =	vst v63  }
0x2c: {  	_ =	swait.ge [sflag:s13], $0x4000  }
0x2d: {  	s19 =	simm.s32 $0x40;
	[sflag:s13] =	ssyncset.done $0x0  }
0x2e: {  	s16 =	simm.s32 $0x2;
	s1 =	sand.u32 $0x1FF0, s19;
	[sflag:s13] =	ssyncadd.s32 $0xFFFFC000  }
0x2f: {  	[tilespmem:s8], [sflag:$0x6] =	stream.indirect.gather.add.f32 [hbm:s0], $0x80, s3, s17, $0xb8;
	[tilespmem:$0x1B080] =	vst v63  }
0x30: {  	s1 =	smul.u32 $0x147B, s1;
	_ =	swait.ge [sflag:s16], $0x4000  }
0x31: {  	[sflag:s16] =	ssyncset.done $0x0  }
0x32: {  	s18 =	simm.s32 $0x3;
	s1 =	sshrl.u32 s1, $0x11;
	[sflag:s16] =	ssyncadd.s32 $0xFFFFC000  }
0x33: {  	[tilespmem:s9], [sflag:$0x7] =	stream.indirect.gather.add.f32 [hbm:s0], $0x80, s17, s17, $0xb8;
	[tilespmem:$0x1B080] =	vst v63  }
0x34: {  	s1 =	smul.u32 $0xC8, s1;
	_ =	swait.ge [sflag:s18], $0x4000  }
0x35: {  	s20 =	simm.s32 $0x100;
	p2 =	por $0x1, $0x1;
	[sflag:s18] =	ssyncset.done $0x0  }
0x36: {  	s4 =	simm.s32 @!p2 $0xF;
	s1 =	ssub.s32 $0x200, s1;
	[sflag:s18] =	ssyncadd.s32 $0xFFFFC000  }
0x37: {  	[tilespmem:s10], [sflag:$0x8] =	stream.indirect.gather.add.f32 [hbm:s0], $0x80, s20, s17, $0xb8;
	[tilespmem:$0x1B080] =	vst v63  }
0x38: {  	s1 =	sand.u32 $0xFFF8, s1;
	_ =	swait.ge @!p2 [sflag:s4], $0x4000  }
0x39: {  	s1 =	sshll.u32 s1, $0x7;
	[sflag:s4] =	ssyncset.done @!p2 $0x0  }
0x3a: {  	p1 =	por $0x0, $0x0;
	s1 =	sadd.s32 s1, s2;
	[sflag:s4] =	ssyncadd.s32 @!p2 $0xFFFFC000  }
0x3b: {  	[tilespmem:s21], [sflag:$0x5] =	stream.linear.gather [spmem:s1], $0x4000, $0x38;
	[tilespmem:$0x1B080] =	vst v63  }
0x3c: {  	s1 =	simm.s32 @!p1 $0x50;
	_ =	swait.ge [sflag:s22], $0x4000  }
0x3d: {  	s1 =	sand.u32 @!p1 $0x1FF0, s1;
	[sflag:s22] =	ssyncset.done $0x0  }
0x3e: {  	s6 =	simm.s32 $0x180;
	s1 =	smul.u32 @!p1 $0x147B, s1;
	[sflag:s22] =	ssyncadd.s32 $0xFFFFC000  }
0x3f: {  	[tilespmem:s15], [sflag:$0x9] =	stream.indirect.gather.add.f32 [hbm:s0], $0x80, s6, s17, $0xb8;
	[tilespmem:$0x1B080] =	vst v63  }
0x40: {  	s1 =	sshrl.u32 @!p1 s1, $0x11  }
0x41: {  	s1 =	smul.u32 @!p1 $0xC8, s1  }
0x42: {  	s6 =	simm.s32 @!p1 $0x60;
	_ =	swait.ge [sflag:s23], $0x4000  }
0x43: {  	s7 =	rddreg [dreg:$0x5];
	[sflag:s23] =	ssyncset.done $0x0;
	s1 =	ssub.s32 @!p1 $0x280, s1  }
0x44: {  	[sflag:s23] =	ssyncadd.s32 $0xFFFFC000;
	s4 =	sadd.s32 $0x0, s7;
	s7 =	simm.s32 @!p1 $0xB  }
0x45: {  	[hbm4b:s4+s3] =	stream.linear.scatter [tilespmem:s8], [sflag:$0xB], $0x4000, $0x38;
	[tilespmem:$0x1B080] =	vst v63  }
0x46: {  	s6 =	sand.u32 @!p1 $0x1FF0, s6;
	s1 =	sand.u32 @!p1 $0xFFF8, s1;
	_ =	swait.ge @!p1 [sflag:s7], $0x4000  }
0x47: {  	s6 =	smul.u32 @!p1 $0x147B, s6;
	s1 =	sshll.u32 @!p1 s1, $0x7;
	[sflag:s7] =	ssyncset.done @!p1 $0x0  }
0x48: {  	s1 =	sadd.s32 @!p1 s1, s2;
	[sflag:s7] =	ssyncadd.s32 @!p1 $0xFFFFC000;
	s7 =	simm.s32 @!p1 $0x6400  }
0x49: {  	[tilespmem:s7], [sflag:$0x1] =	stream.linear.gather @!p1 [spmem:s1], $0x4000, $0x38;
	[tilespmem:$0x1B080] =	vst v63  }
0x4a: {  	_ =	swait.ge [sflag:s24], $0x4000  }
0x4b: {  	s1 =	sshrl.u32 @!p1 s6, $0x11;
	[sflag:s24] =	ssyncset.done $0x0  }
0x4c: {  	s8 =	simm.s32 $0x200;
	s1 =	smul.u32 @!p1 $0xC8, s1;
	[sflag:s24] =	ssyncadd.s32 $0xFFFFC000  }
0x4d: {  	[tilespmem:s21], [sflag:$0xA] =	stream.indirect.gather.add.f32 [hbm:s0], $0x80, s8, s17, $0xb8;
	[tilespmem:$0x1B080] =	vst v63  }
0x4e: {  	s30 =	simm.s32 @!p1 $0xE;
	_ =	swait.ge [sflag:s25], $0x4000  }
0x4f: {  	s4 =	sadd.s32 $0x800, s4;
	s1 =	ssub.s32 @!p1 $0x300, s1;
	[sflag:s25] =	ssyncset.done $0x0  }
0x50: {  	s1 =	sand.u32 @!p1 $0xFFF8, s1;
	s8 =	simm.s32 @!p1 $0xC;
	[sflag:s25] =	ssyncadd.s32 $0xFFFFC000  }
0x51: {  	[hbm4b:s4+s3] =	stream.linear.scatter [tilespmem:s9], [sflag:$0xC], $0x4000, $0x38;
	[tilespmem:$0x1B080] =	vst v63  }
0x52: {  	s6 =	simm.s32 @!p1 $0x70;
	s1 =	sshll.u32 @!p1 s1, $0x7;
	_ =	swait.ge @!p1 [sflag:s8], $0x4000  }
0x53: {  	s1 =	sadd.s32 @!p1 s1, s2;
	s4 =	sand.u32 @!p1 $0x1FF0, s6;
	[sflag:s8] =	ssyncset.done @!p1 $0x0  }
0x54: {  	s4 =	smul.u32 @!p1 $0x147B, s4;
	[sflag:s8] =	ssyncadd.s32 @!p1 $0xFFFFC000;
	s8 =	simm.s32 @!p1 $0xA400  }
0x55: {  	[tilespmem:s8], [sflag:$0x2] =	stream.linear.gather @!p1 [spmem:s1], $0x4000, $0x38;
	[tilespmem:$0x1B080] =	vst v63  }
0x56: {  	s12 =	simm.s32 $0x90;
	s6 =	simm.s32 @!p1 $0x1;
	s1 =	sshrl.u32 @!p1 s4, $0x11  }
0x57: {  	s16 =	simm.s32 $0x380;
	_ =	swait.ge @!p1 [sflag:s6], $0x4000;
	s1 =	smul.u32 @!p1 $0xC8, s1  }
0x58: {  	s18 =	simm.s32 @!p1 $0x80;
	s20 =	simm.s32 $0x9;
	[sflag:s6] =	ssyncset.done @!p1 $0x0  }
0x59: {  	s4 =	simm.s32 @!p1 $0x280;
	[sflag:s6] =	ssyncadd.s32 @!p1 $0xFFFFC000;
	s1 =	ssub.s32 @!p1 $0x380, s1  }
0x5a: {  	[tilespmem:s7], [sflag:$0x6] =	stream.indirect.gather.add.f32 @!p1 [hbm:s0], $0x80, s4, s18, $0xb8;
	[tilespmem:$0x1B080] =	vst v63  }
0x5b: {  	s4 =	simm.s32 @!p1 $0x400;
	s1 =	sand.u32 @!p1 $0xFFF8, s1;
	s7 =	simm.s32 @!p1 $0xD  }
0x5c: {  	_ =	swait.ge [sflag:s26], $0x4000;
	s4 =	sand.u32 @!p1 $0xFFF8, s4;
	s1 =	sshll.u32 @!p1 s1, $0x7  }
0x5d: {  	s11 =	rddreg [dreg:$0x8];
	s4 =	sshrl.u32 @!p1 s4, $0x3;
	[sflag:s26] =	ssyncset.done $0x0  }
0x5e: {  	s4 =	smul.u32 @!p1 $0x147B, s4;
	[sflag:s26] =	ssyncadd.s32 $0xFFFFC000;
	s6 =	sadd.s32 $0x0, s11  }
0x5f: {  	[hbm4b:s6+s3] =	stream.linear.scatter [tilespmem:s10], [sflag:$0xD], $0x4000, $0x38;
	[tilespmem:$0x1B080] =	vst v63  }
0x60: {  	s9 =	simm.s32 $0xC;
	s6 =	sadd.s32 @!p1 s1, s2;
	_ =	swait.ge @!p1 [sflag:s7], $0x4000  }
0x61: {  	s1 =	simm.s32 @!p1 $0xE400;
	s4 =	sshrl.u32 @!p1 s4, $0x11;
	[sflag:s7] =	ssyncset.done @!p1 $0x0  }
0x62: {  	s4 =	smul.u32 @!p1 $0xC8, s4;
	[sflag:s7] =	ssyncadd.s32 @!p1 $0xFFFFC000;
	s7 =	simm.s32 @!p1 $0x2  }
0x63: {  	[tilespmem:s1], [sflag:$0x3] =	stream.linear.gather @!p1 [spmem:s6], $0x4000, $0x38;
	[tilespmem:$0x1B080] =	vst v63  }
0x64: {  	s11 =	simm.s32 $0x5000;
	s4 =	ssub.s32 @!p1 $0x400, s4;
	_ =	swait.ge @!p1 [sflag:s7], $0x4000  }
0x65: {  	s10 =	simm.s32 $0x0;
	s4 =	sand.u32 @!p1 $0xFFFF, s4;
	[sflag:s7] =	ssyncset.done @!p1 $0x0  }
0x66: {  	s4 =	sshll.u32 @!p1 s4, $0x7;
	[sflag:s7] =	ssyncadd.s32 @!p1 $0xFFFFC000;
	s7 =	simm.s32 @!p1 $0x300  }
0x67: {  	[tilespmem:s8], [sflag:$0x7] =	stream.indirect.gather.add.f32 @!p1 [hbm:s0], $0x80, s7, s18, $0xb8;
	[tilespmem:$0x1B080] =	vst v63  }
0x68: {  	s6 =	simm.s32 $0x2800;
	s31 =	sadd.s32 @!p1 s4, s2;
	s7 =	sand.u32 $0x1FF0, s12  }
0x69: {  	s8 =	simm.s32 $0x280;
	_ =	swait.ge [sflag:s28], $0x4000;
	s19 =	smul.u32 $0x147B, s7  }
0x6a: {  	s7 =	simm.s32 $0x600;
	s13 =	rddreg [dreg:$0x6];
	[sflag:s28] =	ssyncset.done $0x0  }
0x6b: {  	s4 =	sshrl.u32 s19, $0x11;
	[sflag:s28] =	ssyncadd.s32 $0xFFFFC000;
	s19 =	sadd.s32 $0x0, s13  }
.LBB2_2:
0x6c: {  	[hbm4b:s19+s3] =	stream.linear.scatter [tilespmem:s15], [sflag:$0xE], $0x4000, $0x38;
	[tilespmem:$0x1B080] =	vst v63  }
0x6d: {  	s4 =	smul.u32 $0xC8, s4;
	_ =	swait.ge @!p1 [sflag:s30], $0x4000  }
0x6e: {  	s20 =	sshll.u32 s20, $0x7;
	s5 =	simm.s32 @!p1 $0x3;
	[sflag:s30] =	ssyncset.done @!p1 $0x0  }
0x6f: {  	s4 =	ssub.s32 s20, s4;
	s20 =	simm.s32 @!p1 $0x12400;
	[sflag:s30] =	ssyncadd.s32 @!p1 $0xFFFFC000  }
0x70: {  	[tilespmem:s20], [sflag:$0x4] =	stream.linear.gather @!p1 [spmem:s31], $0x4000, $0x38;
	[tilespmem:$0x1B080] =	vst v63  }
0x71: {  	s19 =	smov.u32 s11;
	p3 =	seq.s32 s6, $0x0;
	_ =	swait.ge @!p1 [sflag:s5], $0x4000  }
0x72: {  	s12 =	simm.s32 @!p3 $0xF;
	s4 =	sand.u32 $0xFFF8, s4;
	[sflag:s5] =	ssyncset.done @!p1 $0x0  }
0x73: {  	s4 =	sshll.u32 s4, $0x7;
	s20 =	sadd.s32 $0xFFFFFE00, s7;
	[sflag:s5] =	ssyncadd.s32 @!p1 $0xFFFFC000  }
0x74: {  	[tilespmem:s1], [sflag:$0x8] =	stream.indirect.gather.add.f32 @!p1 [hbm:s0], $0x80, s16, s18, $0xb8;
	[tilespmem:$0x1B080] =	vst v63  }
0x75: {  	s4 =	sadd.s32 s4, s2;
	p1 =	seq.s32 s6, $0x61800;
	s16 =	sadd.s32 $0xFFFFFFFE, s9  }
0x76: {  	s5 =	sadd.s32 $0xFFFFFFFF, s9;
	_ =	swait.ge [sflag:s29], $0x4000;
	s18 =	sshll.u32 @!p1 s16, $0x7  }
0x77: {  	s30 =	sshll.u32 @!p1 s5, $0x4;
	s31 =	sshll.u32 @!p1 s9, $0x4;
	s16 =	sshll.u32 @!p1 s16, $0x4  }
0x78: {  	s5 =	sshll.u32 @!p1 s5, $0x7;
	[sflag:s29] =	ssyncset.done $0x0;
	s13 =	rddreg [dreg:$0x7]  }
0x79: {  	[sflag:s29] =	ssyncadd.s32 $0xFFFFC000;
	s1 =	sadd.s32 s10, s13;
	s10 =	sand.u32 @!p1 $0x1FF0, s30  }
0x7a: {  	[hbm4b:s1+s3] =	stream.linear.scatter [tilespmem:s21], [sflag:$0xF], $0x4000, $0x38;
	[tilespmem:$0x1B080] =	vst v63  }
0x7b: {  	s16 =	sand.u32 @!p1 $0x1FF0, s16;
	s10 =	smul.u32 @!p1 $0x147B, s10;
	_ =	swait.ge @!p3 [sflag:s12], $0x4000  }
0x7c: {  	s30 =	sand.u32 @!p1 $0x1FF0, s31;
	s16 =	smul.u32 @!p1 $0x147B, s16;
	[sflag:s12] =	ssyncset.done @!p3 $0x0  }
0x7d: {  	s10 =	sshrl.u32 @!p1 s10, $0x11;
	[sflag:s12] =	ssyncadd.s32 @!p3 $0xFFFFC000;
	s12 =	smul.u32 @!p1 $0x147B, s30  }
0x7e: {  	[tilespmem:s21], [sflag:$0x5] =	stream.linear.gather [spmem:s4], $0x4000, $0x38;
	[tilespmem:$0x1B080] =	vst v63  }
0x7f: {  	s1 =	sadd.s32 @!p1 $0x400, s8;
	s10 =	smul.u32 @!p1 $0xC8, s10;
	s4 =	sshrl.u32 @!p1 s16, $0x11  }
0x80: {  	s31 =	sand.u32 @!p1 $0xFFF8, s1;
	_ =	swait.ge [sflag:s22], $0x4000;
	s4 =	smul.u32 @!p1 $0xC8, s4  }
0x81: {  	s16 =	simm.s32 @!p1 $0xB;
	s5 =	ssub.s32 @!p1 s5, s10;
	[sflag:s22] =	ssyncset.done $0x0  }
0x82: {  	s5 =	sand.u32 @!p1 $0xFFF8, s5;
	[sflag:s22] =	ssyncadd.s32 $0xFFFFC000;
	s4 =	ssub.s32 @!p1 s18, s4  }
0x83: {  	[tilespmem:s15], [sflag:$0x9] =	stream.indirect.gather.add.f32 [hbm:s0], $0x80, s20, s17, $0xb8;
	[tilespmem:$0x1B080] =	vst v63  }
0x84: {  	s10 =	sshrl.u32 @!p1 s12, $0x11;
	s5 =	sshll.u32 @!p1 s5, $0x7;
	s4 =	sand.u32 @!p1 $0xFFF8, s4  }
0x85: {  	s18 =	sadd.s32 @!p1 s5, s2;
	s5 =	smul.u32 @!p1 $0xC8, s10;
	_ =	swait.ge [sflag:s23], $0x4000  }
0x86: {  	s4 =	sshll.u32 @!p1 s4, $0x7;
	s13 =	rddreg [dreg:$0x5];
	[sflag:s23] =	ssyncset.done $0x0  }
0x87: {  	[sflag:s23] =	ssyncadd.s32 $0xFFFFC000;
	s12 =	sadd.s32 s6, s13;
	s13 =	simm.s32 $0x6400  }
0x88: {  	[hbm4b:s12+s3] =	stream.linear.scatter [tilespmem:s13], [sflag:$0xB], $0x4000, $0x38;
	[tilespmem:$0x1B080] =	vst v63  }
0x89: {  	s10 =	sshll.u32 @!p1 s9, $0x7;
	s4 =	sadd.s32 @!p1 s4, s2;
	_ =	swait.ge @!p1 [sflag:s16], $0x4000  }
0x8a: {  	s5 =	ssub.s32 @!p1 s10, s5;
	s10 =	sshrl.u32 @!p1 s31, $0x3;
	[sflag:s16] =	ssyncset.done @!p1 $0x0  }
0x8b: {  	s5 =	sand.u32 @!p1 $0xFFF8, s5;
	s13 =	simm.s32 @!p1 $0x6400;
	[sflag:s16] =	ssyncadd.s32 @!p1 $0xFFFFC000  }
0x8c: {  	[tilespmem:s13], [sflag:$0x1] =	stream.linear.gather @!p1 [spmem:s4], $0x4000, $0x38;
	[tilespmem:$0x1B080] =	vst v63  }
0x8d: {  	s10 =	smul.u32 @!p1 $0x147B, s10;
	s5 =	sshll.u32 @!p1 s5, $0x7;
	_ =	swait.ge [sflag:s24], $0x4000  }
0x8e: {  	s12 =	sadd.s32 $0x800, s12;
	s20 =	sadd.s32 @!p1 s5, s2;
	[sflag:s24] =	ssyncset.done $0x0  }
0x8f: {  	s16 =	sadd.s32 $0xFFFFFE80, s7;
	s4 =	sshrl.u32 @!p1 s10, $0x11;
	[sflag:s24] =	ssyncadd.s32 $0xFFFFC000  }
0x90: {  	[tilespmem:s21], [sflag:$0xA] =	stream.indirect.gather.add.f32 [hbm:s0], $0x80, s16, s17, $0xb8;
	[tilespmem:$0x1B080] =	vst v63  }
0x91: {  	s5 =	simm.s32 @!p1 $0xC;
	s4 =	smul.u32 @!p1 $0xC8, s4;
	_ =	swait.ge [sflag:s25], $0x4000  }
0x92: {  	s10 =	smov.u32 s6;
	s6 =	smov.u32 s19;
	[sflag:s25] =	ssyncset.done $0x0  }
0x93: {  	s19 =	simm.s32 $0xA400;
	s1 =	ssub.s32 @!p1 s1, s4;
	[sflag:s25] =	ssyncadd.s32 $0xFFFFC000  }
0x94: {  	[hbm4b:s12+s3] =	stream.linear.scatter [tilespmem:s19], [sflag:$0xC], $0x4000, $0x38;
	[tilespmem:$0x1B080] =	vst v63  }
0x95: {  	s1 =	sand.u32 @!p1 $0xFFFF, s1;
	_ =	swait.ge @!p1 [sflag:s5], $0x4000  }
0x96: {  	s4 =	simm.s32 @!p1 $0xA400;
	s1 =	sshll.u32 @!p1 s1, $0x7;
	[sflag:s5] =	ssyncset.done @!p1 $0x0  }
0x97: {  	s31 =	sadd.s32 @!p1 s1, s2;
	s1 =	simm.s32 @!p1 $0x1;
	[sflag:s5] =	ssyncadd.s32 @!p1 $0xFFFFC000  }
0x98: {  	[tilespmem:s4], [sflag:$0x2] =	stream.linear.gather @!p1 [spmem:s18], $0x4000, $0x38;
	[tilespmem:$0x1B080] =	vst v63  }
0x99: {  	_ =	swait.ge @!p1 [sflag:s1], $0x4000  }
0x9a: {  	[sflag:s1] =	ssyncset.done @!p1 $0x0  }
0x9b: {  	s18 =	simm.s32 @!p1 $0x80;
	[sflag:s1] =	ssyncadd.s32 @!p1 $0xFFFFC000;
	s1 =	sadd.s32 @!p1 $0xFFFFFF00, s7  }
0x9c: {  	[tilespmem:s13], [sflag:$0x6] =	stream.indirect.gather.add.f32 @!p1 [hbm:s0], $0x80, s1, s18, $0xb8;
	[tilespmem:$0x1B080] =	vst v63  }
0x9d: {  	_ =	swait.ge [sflag:s26], $0x4000  }
0x9e: {  	s12 =	rddreg [dreg:$0x8];
	[sflag:s26] =	ssyncset.done $0x0  }
0x9f: {  	s5 =	simm.s32 @!p1 $0xD;
	[sflag:s26] =	ssyncadd.s32 $0xFFFFC000;
	s1 =	sadd.s32 s10, s12  }
0xa0: {  	[hbm4b:s1+s3] =	stream.linear.scatter [tilespmem:s14], [sflag:$0xD], $0x4000, $0x38;
	[tilespmem:$0x1B080] =	vst v63  }
0xa1: {  	_ =	swait.ge @!p1 [sflag:s5], $0x4000  }
0xa2: {  	[sflag:s5] =	ssyncset.done @!p1 $0x0  }
0xa3: {  	s1 =	simm.s32 @!p1 $0xE400;
	[sflag:s5] =	ssyncadd.s32 @!p1 $0xFFFFC000;
	s5 =	simm.s32 @!p1 $0x2  }
0xa4: {  	[tilespmem:s1], [sflag:$0x3] =	stream.linear.gather @!p1 [spmem:s20], $0x4000, $0x38;
	[tilespmem:$0x1B080] =	vst v63  }
0xa5: {  	s11 =	sadd.s32 $0x2800, s11;
	_ =	swait.ge @!p1 [sflag:s5], $0x4000  }
0xa6: {  	p2 =	sne.s32 s11, $0x64000;
	s9 =	sadd.s32 $0x5, s9;
	[sflag:s5] =	ssyncset.done @!p1 $0x0  }
0xa7: {  	s20 =	sadd.s32 $0xFFFFFFFD, s9;
	[sflag:s5] =	ssyncadd.s32 @!p1 $0xFFFFC000;
	s5 =	sadd.s32 @!p1 $0xFFFFFF80, s7  }
0xa8: {  	[tilespmem:s4], [sflag:$0x7] =	stream.indirect.gather.add.f32 @!p1 [hbm:s0], $0x80, s5, s18, $0xb8;
	[tilespmem:$0x1B080] =	vst v63  }
.Ltmp0:
0xa9: {  	s13 =	sshll.u32 s20, $0x4;
	(pc) =	sbr.rel @p2 .LBB2_2-.Ltmp0, $4  }
0xaa: {  	s8 =	sadd.s32 $0x280, s8;
	s30 =	simm.s32 @!p1 $0xE;
	s4 =	sand.u32 $0x1FF0, s13  }
0xab: {  	s16 =	smov.u32 s7;
	_ =	swait.ge [sflag:s28], $0x4000;
	s4 =	smul.u32 $0x147B, s4  }
0xac: {  	s7 =	sadd.s32 $0x280, s7;
	s19 =	rddreg [dreg:$0x6];
	[sflag:s28] =	ssyncset.done $0x0  }
0xad: {  	s4 =	sshrl.u32 s4, $0x11;
	[sflag:s28] =	ssyncadd.s32 $0xFFFFC000;
	s19 =	sadd.s32 s10, s19  }
0xae: {  	[hbm4b:s19+s3] =	stream.linear.scatter [tilespmem:s15], [sflag:$0xE], $0x4000, $0x38;
	[tilespmem:$0x1B080] =	vst v63  }
0xaf: {  	_ =	swait.ge @!p1 [sflag:s30], $0x4000  }
0xb0: {  	[sflag:s30] =	ssyncset.done @!p1 $0x0  }
0xb1: {  	s5 =	simm.s32 @!p1 $0x12400;
	[sflag:s30] =	ssyncadd.s32 @!p1 $0xFFFFC000  }
0xb2: {  	[tilespmem:s5], [sflag:$0x4] =	stream.linear.gather @!p1 [spmem:s31], $0x4000, $0x38;
	[tilespmem:$0x1B080] =	vst v63  }
0xb3: {  	s5 =	simm.s32 @!p1 $0x3  }
0xb4: {  	_ =	swait.ge @!p1 [sflag:s5], $0x4000  }
0xb5: {  	[sflag:s5] =	ssyncset.done @!p1 $0x0  }
0xb6: {  	s12 =	smul.u32 $0xC8, s4;
	[sflag:s5] =	ssyncadd.s32 @!p1 $0xFFFFC000  }
0xb7: {  	[tilespmem:s1], [sflag:$0x8] =	stream.indirect.gather.add.f32 @!p1 [hbm:s0], $0x80, s16, s18, $0xb8;
	[tilespmem:$0x1B080] =	vst v63  }
0xb8: {  	s13 =	sshll.u32 s20, $0x7;
	p2 =	seq.s32 s6, $0x0;
	_ =	swait.ge [sflag:s29], $0x4000  }
0xb9: {  	s4 =	simm.s32 @!p2 $0xF;
	s16 =	rddreg [dreg:$0x7];
	[sflag:s29] =	ssyncset.done $0x0  }
0xba: {  	s1 =	ssub.s32 s13, s12;
	[sflag:s29] =	ssyncadd.s32 $0xFFFFC000;
	s5 =	sadd.s32 s10, s16  }
0xbb: {  	[hbm4b:s5+s3] =	stream.linear.scatter [tilespmem:s21], [sflag:$0xF], $0x4000, $0x38;
	[tilespmem:$0x1B080] =	vst v63  }
0xbc: {  	s1 =	sand.u32 $0xFFF8, s1;
	_ =	swait.ge @!p2 [sflag:s4], $0x4000  }
0xbd: {  	p1 =	seq.s32 s6, $0x61800;
	s1 =	sshll.u32 s1, $0x7;
	[sflag:s4] =	ssyncset.done @!p2 $0x0  }
0xbe: {  	s1 =	sadd.s32 s1, s2;
	s5 =	sadd.s32 $0xFFFFFFFE, s9;
	[sflag:s4] =	ssyncadd.s32 @!p2 $0xFFFFC000  }
0xbf: {  	[tilespmem:s21], [sflag:$0x5] =	stream.linear.gather [spmem:s1], $0x4000, $0x38;
	[tilespmem:$0x1B080] =	vst v63  }
0xc0: {  	s1 =	sshll.u32 @!p1 s5, $0x4;
	_ =	swait.ge [sflag:s22], $0x4000  }
0xc1: {  	s1 =	sand.u32 @!p1 $0x1FF0, s1;
	[sflag:s22] =	ssyncset.done $0x0  }
0xc2: {  	s18 =	sadd.s32 $0xFFFFFE00, s7;
	s1 =	smul.u32 @!p1 $0x147B, s1;
	[sflag:s22] =	ssyncadd.s32 $0xFFFFC000  }
0xc3: {  	[tilespmem:s15], [sflag:$0x9] =	stream.indirect.gather.add.f32 [hbm:s0], $0x80, s18, s17, $0xb8;
	[tilespmem:$0x1B080] =	vst v63  }
0xc4: {  	s1 =	sshrl.u32 @!p1 s1, $0x11  }
0xc5: {  	s1 =	smul.u32 @!p1 $0xC8, s1  }
0xc6: {  	s20 =	simm.s32 $0x6400;
	s5 =	sshll.u32 @!p1 s5, $0x7;
	_ =	swait.ge [sflag:s23], $0x4000  }
0xc7: {  	s19 =	rddreg [dreg:$0x5];
	[sflag:s23] =	ssyncset.done $0x0;
	s1 =	ssub.s32 @!p1 s5, s1  }
0xc8: {  	[sflag:s23] =	ssyncadd.s32 $0xFFFFC000;
	s4 =	sadd.s32 s6, s19;
	s5 =	simm.s32 @!p1 $0xB  }
0xc9: {  	[hbm4b:s4+s3] =	stream.linear.scatter [tilespmem:s20], [sflag:$0xB], $0x4000, $0x38;
	[tilespmem:$0x1B080] =	vst v63  }
0xca: {  	s1 =	sand.u32 @!p1 $0xFFF8, s1;
	_ =	swait.ge @!p1 [sflag:s5], $0x4000  }
0xcb: {  	s10 =	sadd.s32 $0xFFFFFFFF, s9;
	s1 =	sshll.u32 @!p1 s1, $0x7;
	[sflag:s5] =	ssyncset.done @!p1 $0x0  }
0xcc: {  	s1 =	sadd.s32 @!p1 s1, s2;
	[sflag:s5] =	ssyncadd.s32 @!p1 $0xFFFFC000;
	s5 =	simm.s32 @!p1 $0x6400  }
0xcd: {  	[tilespmem:s5], [sflag:$0x1] =	stream.linear.gather @!p1 [spmem:s1], $0x4000, $0x38;
	[tilespmem:$0x1B080] =	vst v63  }
0xce: {  	s1 =	sshll.u32 @!p1 s10, $0x4;
	_ =	swait.ge [sflag:s24], $0x4000  }
0xcf: {  	s1 =	sand.u32 @!p1 $0x1FF0, s1;
	[sflag:s24] =	ssyncset.done $0x0  }
0xd0: {  	s11 =	sadd.s32 $0xFFFFFE80, s7;
	s1 =	smul.u32 @!p1 $0x147B, s1;
	[sflag:s24] =	ssyncadd.s32 $0xFFFFC000  }
0xd1: {  	[tilespmem:s21], [sflag:$0xA] =	stream.indirect.gather.add.f32 [hbm:s0], $0x80, s11, s17, $0xb8;
	[tilespmem:$0x1B080] =	vst v63  }
0xd2: {  	s1 =	sshrl.u32 @!p1 s1, $0x11  }
0xd3: {  	s30 =	simm.s32 $0xA400;
	s1 =	smul.u32 @!p1 $0xC8, s1;
	_ =	swait.ge [sflag:s25], $0x4000  }
0xd4: {  	s4 =	sadd.s32 $0x800, s4;
	s10 =	sshll.u32 @!p1 s10, $0x7;
	[sflag:s25] =	ssyncset.done $0x0  }
0xd5: {  	s1 =	ssub.s32 @!p1 s10, s1;
	[sflag:s25] =	ssyncadd.s32 $0xFFFFC000;
	s10 =	simm.s32 @!p1 $0xC  }
0xd6: {  	[hbm4b:s4+s3] =	stream.linear.scatter [tilespmem:s30], [sflag:$0xC], $0x4000, $0x38;
	[tilespmem:$0x1B080] =	vst v63  }
0xd7: {  	s1 =	sand.u32 @!p1 $0xFFF8, s1;
	_ =	swait.ge @!p1 [sflag:s10], $0x4000  }
0xd8: {  	s4 =	simm.s32 @!p1 $0xA400;
	s1 =	sshll.u32 @!p1 s1, $0x7;
	[sflag:s10] =	ssyncset.done @!p1 $0x0  }
0xd9: {  	s1 =	sadd.s32 @!p1 s1, s2;
	[sflag:s10] =	ssyncadd.s32 @!p1 $0xFFFFC000;
	s10 =	simm.s32 @!p1 $0x1  }
0xda: {  	[tilespmem:s4], [sflag:$0x2] =	stream.linear.gather @!p1 [spmem:s1], $0x4000, $0x38;
	[tilespmem:$0x1B080] =	vst v63  }
0xdb: {  	_ =	swait.ge @!p1 [sflag:s10], $0x4000  }
0xdc: {  	[sflag:s10] =	ssyncset.done @!p1 $0x0  }
0xdd: {  	s1 =	sadd.s32 @!p1 $0xFFFFFF00, s7;
	[sflag:s10] =	ssyncadd.s32 @!p1 $0xFFFFC000;
	s10 =	simm.s32 @!p1 $0x80  }
0xde: {  	[tilespmem:s5], [sflag:$0x6] =	stream.indirect.gather.add.f32 @!p1 [hbm:s0], $0x80, s1, s10, $0xb8;
	[tilespmem:$0x1B080] =	vst v63  }
0xdf: {  	s5 =	sshll.u32 @!p1 s9, $0x4;
	_ =	swait.ge [sflag:s26], $0x4000  }
0xe0: {  	s5 =	sand.u32 @!p1 $0x1FF0, s5;
	s31 =	rddreg [dreg:$0x8];
	[sflag:s26] =	ssyncset.done $0x0  }
0xe1: {  	s5 =	smul.u32 @!p1 $0x147B, s5;
	[sflag:s26] =	ssyncadd.s32 $0xFFFFC000;
	s1 =	sadd.s32 s6, s31  }
0xe2: {  	[hbm4b:s1+s3] =	stream.linear.scatter [tilespmem:s14], [sflag:$0xD], $0x4000, $0x38;
	[tilespmem:$0x1B080] =	vst v63  }
0xe3: {  	s1 =	sshrl.u32 @!p1 s5, $0x11  }
0xe4: {  	s1 =	smul.u32 @!p1 $0xC8, s1  }
0xe5: {  	s5 =	sshll.u32 @!p1 s9, $0x7  }
0xe6: {  	s1 =	ssub.s32 @!p1 s5, s1;
	s5 =	simm.s32 @!p1 $0xD  }
0xe7: {  	s1 =	sand.u32 @!p1 $0xFFF8, s1;
	_ =	swait.ge @!p1 [sflag:s5], $0x4000  }
0xe8: {  	s1 =	sshll.u32 @!p1 s1, $0x7;
	[sflag:s5] =	ssyncset.done @!p1 $0x0  }
0xe9: {  	s1 =	sadd.s32 @!p1 s1, s2;
	[sflag:s5] =	ssyncadd.s32 @!p1 $0xFFFFC000;
	s5 =	simm.s32 @!p1 $0xE400  }
0xea: {  	[tilespmem:s5], [sflag:$0x3] =	stream.linear.gather @!p1 [spmem:s1], $0x4000, $0x38;
	[tilespmem:$0x1B080] =	vst v63  }
0xeb: {  	s1 =	simm.s32 @!p1 $0x2  }
0xec: {  	_ =	swait.ge @!p1 [sflag:s1], $0x4000  }
0xed: {  	[sflag:s1] =	ssyncset.done @!p1 $0x0  }
0xee: {  	s8 =	sadd.s32 @!p1 $0x400, s8;
	[sflag:s1] =	ssyncadd.s32 @!p1 $0xFFFFC000;
	s1 =	sadd.s32 @!p1 $0xFFFFFF80, s7  }
0xef: {  	[tilespmem:s4], [sflag:$0x7] =	stream.indirect.gather.add.f32 @!p1 [hbm:s0], $0x80, s1, s10, $0xb8;
	[tilespmem:$0x1B080] =	vst v63  }
0xf0: {  	s1 =	sand.u32 @!p1 $0xFFF8, s8  }
0xf1: {  	s1 =	sshrl.u32 @!p1 s1, $0x3  }
0xf2: {  	s1 =	smul.u32 @!p1 $0x147B, s1  }
0xf3: {  	_ =	swait.ge [sflag:s28], $0x4000  }
0xf4: {  	s11 =	rddreg [dreg:$0x6];
	[sflag:s28] =	ssyncset.done $0x0;
	s1 =	sshrl.u32 @!p1 s1, $0x11  }
0xf5: {  	[sflag:s28] =	ssyncadd.s32 $0xFFFFC000;
	s4 =	sadd.s32 s6, s11;
	s1 =	smul.u32 @!p1 $0xC8, s1  }
0xf6: {  	[hbm4b:s4+s3] =	stream.linear.scatter [tilespmem:s15], [sflag:$0xE], $0x4000, $0x38;
	[tilespmem:$0x1B080] =	vst v63  }
0xf7: {  	s4 =	simm.s32 @!p1 $0xE;
	s1 =	ssub.s32 @!p1 s8, s1  }
0xf8: {  	_ =	swait.ge @!p1 [sflag:s4], $0x4000;
	s1 =	sand.u32 @!p1 $0xFFFF, s1  }
0xf9: {  	[sflag:s4] =	ssyncset.done @!p1 $0x0;
	s1 =	sshll.u32 @!p1 s1, $0x7  }
0xfa: {  	[sflag:s4] =	ssyncadd.s32 @!p1 $0xFFFFC000;
	s4 =	simm.s32 @!p1 $0x12400;
	s1 =	sadd.s32 @!p1 s1, s2  }
0xfb: {  	[tilespmem:s4], [sflag:$0x4] =	stream.linear.gather @!p1 [spmem:s1], $0x4000, $0x38;
	[tilespmem:$0x1B080] =	vst v63  }
0xfc: {  	s1 =	simm.s32 @!p1 $0x3  }
0xfd: {  	_ =	swait.ge @!p1 [sflag:s1], $0x4000  }
0xfe: {  	[sflag:s1] =	ssyncset.done @!p1 $0x0  }
0xff: {  	[sflag:s1] =	ssyncadd.s32 @!p1 $0xFFFFC000  }
0x100: {  	[tilespmem:s5], [sflag:$0x8] =	stream.indirect.gather.add.f32 @!p1 [hbm:s0], $0x80, s7, s10, $0xb8;
	[tilespmem:$0x1B080] =	vst v63  }
0x101: {  	_ =	swait.ge [sflag:s29], $0x4000  }
0x102: {  	s12 =	rddreg [dreg:$0x7];
	[sflag:s29] =	ssyncset.done $0x0  }
0x103: {  	s13 =	simm.s32 $0xB;
	s1 =	sadd.s32 s6, s12;
	[sflag:s29] =	ssyncadd.s32 $0xFFFFC000  }
0x104: {  	[hbm4b:s1+s3] =	stream.linear.scatter [tilespmem:s21], [sflag:$0xF], $0x4000, $0x38;
	[tilespmem:$0x1B080] =	vst v63  }
0x105: {  	_ =	swait.ge [sflag:s13], $0x4000  }
0x106: {  	[sflag:s13] =	ssyncset.done $0x0  }
0x107: {  	s16 =	simm.s32 $0xC;
	[sflag:s13] =	ssyncadd.s32 $0xFFFFC000  }
0x108: {  	_ =	swait.ge [sflag:s16], $0x4000  }
0x109: {  	[sflag:s16] =	ssyncset.done $0x0  }
0x10a: {  	s18 =	simm.s32 $0xD;
	[sflag:s16] =	ssyncadd.s32 $0xFFFFC000  }
0x10b: {  	_ =	swait.ge [sflag:s18], $0x4000  }
0x10c: {  	[sflag:s18] =	ssyncset.done $0x0  }
0x10d: {  	s19 =	simm.s32 $0xE;
	[sflag:s18] =	ssyncadd.s32 $0xFFFFC000  }
0x10e: {  	_ =	swait.ge [sflag:s19], $0x4000  }
0x10f: {  	[sflag:s19] =	ssyncset.done $0x0  }
0x110: {  	s20 =	simm.s32 $0xF;
	[sflag:s19] =	ssyncadd.s32 $0xFFFFC000  }
0x111: {  	_ =	swait.ge [sflag:s20], $0x4000  }
0x112: {  	s30 =	rddreg [dreg:$0x10]  }
0x113: {  	s31 =	rddreg [dreg:$0xe];
	s5 =	sadd.s32 $0x1, s30  }
0x114: {  	p1 =	sne.s32 s5, s31  }
.Ltmp1:
0x115: {  	_ = 	snop;
	(pc) =	sbr.rel @p1 .LBB2_1-.Ltmp1, $3  }
0x116: {  	_ =	sdelay $0x1  }
0x117: {  	[sflag:s20] =	ssyncset.done $0x0  }
0x118: {  	[sflag:s20] =	ssyncadd.s32 $0xFFFFC000  }
0x119: {  	_ =	sfence.sel $0x180000  }
0x11a: {  	[bflag:$0x0] =	sbarrier.arrive $0xFFFF  }
0x11b: {  	_ =	strace $0x90000047  }
0x11c: {  	[bflag:$0x2] =	sbarrier.arrive $0xFFFF  }
0x11d: {  	s0 =	rddreg [dreg:$0x4]  }
0x11e: {  	s0 =	sadd.s32 @!p0 $0x100000, s0  }
0x11f: {  	[sflag:s0] =	ssyncadd.tile.s32 @!p0 $0x1;
	_ =	shalt  }
.Lfunc_end2:
_tile_overlayer_lowered:
.L_overlay_start_2:
0x120: {  	(tag) =	ssettag $0x2  }
0x121: {  	s0 =	rddreg [dreg:$0x0];
	s2 =	stileid.u32  }
0x122: {  	s1 =	rddreg [dreg:$0x1];
	p0 =	sne.s32 s2, $0x0  }
0x123: {  	s3 =	rddreg [dreg:$0x2];
	[bflag:$0x3] =	sbarrier.arrive $0xFFFF;
	s2 =	simm.s32 @!p0 $0x1C10  }
0x124: {  	[timem:s3], [sflag:s2] =	dma.local @!p0 [hbm:s0], s1  }
0x125: {  	s0 =	simm.s32 @!p0 $0x10  }
0x126: {  	_ =	swait.ge @!p0 [sflag:s0], s1  }
0x127: {  	s1 =	ssub.s32 @!p0 $0x0, s1;
	[sflag:s0] =	ssyncset.done @!p0 $0x0  }
0x128: {  	[sflag:s0] =	ssyncadd.s32 @!p0 s1  }
0x129: {  	[bflag:$0x3] =	sbarrier.arrive $0xFFFF  }
0x12a: {  	_ =	shalt  }

</sc_bundles>
